<compile_context>
chip_gen: v7x
topology: tpu7x:2x2x1
jax: 0.10.2.dev20260603
libtpu: 0.0.44.dev20260713+nightly
codegen_flags: <defaults>
</compile_context>

<pallas_src>
import functools

import jax
import jax.numpy as jnp
from jax import lax
from jax.experimental import pallas as pl
from jax.experimental.pallas import tpu as pltpu
from jax.experimental.pallas import tpu_sc as plsc

N = 10000
E = 320000
D = 128
H = 128
C = 40
CPAD = 48

NC = 2
NS = 16
NW = NC * NS
CHUNK = 80
ROWS = E // CHUNK
ROWS_PER_W = ROWS // NW
NPAD = 10240
NPTD = NPAD // NS

_MESH = plsc.VectorSubcoreMesh(core_axis_name="c", subcore_axis_name="s")


@functools.partial(
    pl.kernel,
    mesh=_MESH,
    out_type=[
        jax.ShapeDtypeStruct((NPAD,), jnp.float32),
        jax.ShapeDtypeStruct((NPAD,), jnp.float32),
    ],
    scratch_types=[
        pltpu.VMEM((ROWS_PER_W, CHUNK), jnp.int32),
        pltpu.VMEM((CHUNK,), jnp.float32),
        pltpu.VMEM_SHARED((NPAD,), jnp.float32),
    ],
)
def _deg_sc(col3d_hbm, zeros_hbm, deg0_out, deg1_out, col_v, ones_v, deg_sp):
    c = lax.axis_index("c")
    s = lax.axis_index("s")
    wid = s * NC + c
    pltpu.sync_copy(zeros_hbm.at[pl.ds(s * NPTD, NPTD)],
                    deg_sp.at[pl.ds(s * NPTD, NPTD)])
    for i in range(CHUNK // 16):
        ones_v[pl.ds(i * 16, 16)] = jnp.ones((16,), jnp.float32)
    pltpu.sync_copy(col3d_hbm.at[wid], col_v)
    plsc.subcore_barrier()

    def body(j, carry):
        pltpu.sync_copy(ones_v, deg_sp.at[col_v.at[j]], add=True)
        return carry

    lax.fori_loop(0, ROWS_PER_W, body, 0)
    plsc.subcore_barrier()

    @pl.when(c == 0)
    def _():
        pltpu.sync_copy(deg_sp.at[pl.ds(s * NPTD, NPTD)],
                        deg0_out.at[pl.ds(s * NPTD, NPTD)])

    @pl.when(c == 1)
    def _():
        pltpu.sync_copy(deg_sp.at[pl.ds(s * NPTD, NPTD)],
                        deg1_out.at[pl.ds(s * NPTD, NPTD)])


NBLK = 5
IBLK = ROWS_PER_W // NBLK



def _make_agg_sc(d, tc_tiling=True):
    @functools.partial(
        pl.kernel,
        mesh=_MESH,
        compiler_params=pltpu.CompilerParams(use_tc_tiling_on_sc=tc_tiling),
        out_type=jax.ShapeDtypeStruct((NC, NPAD, d), jnp.float32),
        scratch_types=[
            pltpu.VMEM((IBLK, CHUNK), jnp.int32),
            pltpu.VMEM((IBLK, CHUNK), jnp.int32),
            pltpu.VMEM((IBLK, CHUNK), jnp.int32),
            pltpu.VMEM((IBLK, CHUNK), jnp.int32),
            pltpu.VMEM((CHUNK, d), jnp.float32),
            pltpu.VMEM((CHUNK, d), jnp.float32),
            pltpu.VMEM_SHARED((NPAD, d), jnp.float32),
            pltpu.SemaphoreType.DMA,
            pltpu.SemaphoreType.DMA,
            pltpu.SemaphoreType.DMA,
            pltpu.SemaphoreType.DMA,
        ],
    )
    def _agg_sc(feat_hbm, row4d_hbm, col4d_hbm, zeros_hbm, agg_out,
                row_v0, col_v0, row_v1, col_v1, buf0, buf1, agg_sp,
                sem0, sem1, isem0, isem1):
        c = lax.axis_index("c")
        s = lax.axis_index("s")
        wid = s * NC + c
        pltpu.async_copy(row4d_hbm.at[wid, 0], row_v0, isem0)
        pltpu.async_copy(col4d_hbm.at[wid, 0], col_v0, isem0)
        pltpu.sync_copy(zeros_hbm.at[pl.ds(s * NPTD, NPTD)],
                        agg_sp.at[pl.ds(s * NPTD, NPTD)])
        plsc.subcore_barrier()

        def _ring(b, row_v, col_v, isem, nrow_v, ncol_v, nisem):
            pltpu.make_async_copy(row4d_hbm.at[wid, b], row_v, isem).wait()
            pltpu.make_async_copy(col4d_hbm.at[wid, b], col_v, isem).wait()

            @pl.when(b + 1 < NBLK)
            def _():
                pltpu.async_copy(row4d_hbm.at[wid, b + 1], nrow_v, nisem)
                pltpu.async_copy(col4d_hbm.at[wid, b + 1], ncol_v, nisem)

            pltpu.async_copy(feat_hbm.at[row_v.at[0]], buf0, sem0)

            def body(j, carry2):
                nxt = j + 1

                @pl.when(jnp.logical_and(nxt < IBLK, lax.rem(nxt, 2) == 0))
                def _():
                    pltpu.async_copy(feat_hbm.at[row_v.at[nxt]], buf0, sem0)

                @pl.when(jnp.logical_and(nxt < IBLK, lax.rem(nxt, 2) == 1))
                def _():
                    pltpu.async_copy(feat_hbm.at[row_v.at[nxt]], buf1, sem1)

                @pl.when(lax.rem(j, 2) == 0)
                def _():
                    pltpu.make_async_copy(
                        feat_hbm.at[row_v.at[j]], buf0, sem0).wait()
                    pltpu.sync_copy(buf0, agg_sp.at[col_v.at[j]], add=True)

                @pl.when(lax.rem(j, 2) == 1)
                def _():
                    pltpu.make_async_copy(
                        feat_hbm.at[row_v.at[j]], buf1, sem1).wait()
                    pltpu.sync_copy(buf1, agg_sp.at[col_v.at[j]], add=True)

                return carry2

            lax.fori_loop(0, IBLK, body, 0)

        def outer(b, carry):
            @pl.when(lax.rem(b, 2) == 0)
            def _():
                _ring(b, row_v0, col_v0, isem0, row_v1, col_v1, isem1)

            @pl.when(lax.rem(b, 2) == 1)
            def _():
                _ring(b, row_v1, col_v1, isem1, row_v0, col_v0, isem0)

            return carry

        lax.fori_loop(0, NBLK, outer, 0)
        plsc.subcore_barrier()
        pltpu.sync_copy(agg_sp.at[pl.ds(s * NPTD, NPTD)],
                        agg_out.at[c, pl.ds(s * NPTD, NPTD)])

    return _agg_sc


_agg_sc_128 = _make_agg_sc(D)
_agg_sc_48 = _make_agg_sc(CPAD, tc_tiling=False)


BN = 400


def _lin1_body(x_ref, w_ref, d0_ref, d1_ref, h1s_ref, dinv_ref):
    deg = d0_ref[...] + d1_ref[...] + 1.0
    dinv = lax.rsqrt(deg)
    h = jnp.dot(x_ref[...], w_ref[...], preferred_element_type=jnp.float32)
    h1s_ref[...] = h * dinv
    dinv_ref[...] = dinv


def _lin2_body(a_ref, h1s_ref, dinv_ref, b1_ref, w2_ref, g_ref):
    dinv = dinv_ref[...]
    a = a_ref[...]
    pre = (a[0] + a[1] + h1s_ref[...]) * dinv + b1_ref[...]
    h2 = jnp.maximum(pre, 0.0)
    g_ref[...] = jnp.dot(h2, w2_ref[...], preferred_element_type=jnp.float32) * dinv


def _out_body(a_ref, g_ref, dinv_ref, b2_ref, o_ref):
    a = a_ref[...]
    o = (a[0] + a[1] + g_ref[...]) * dinv_ref[...] + b2_ref[...]
    m = jnp.max(o, axis=1, keepdims=True)
    lse = jnp.log(jnp.sum(jnp.exp(o - m), axis=1, keepdims=True)) + m
    o_ref[...] = o - lse


def _row_block(d):
    return pl.BlockSpec((BN, d), lambda i: (i, 0))


def _full(shape):
    return pl.BlockSpec(shape, lambda i: tuple(0 for _ in shape))


def _agg_block(d):
    return pl.BlockSpec((NC, BN, d), lambda i: (0, i, 0))


def kernel(x, edge_index, W1, b1, W2, b2):
    row3d = edge_index[0].reshape(NW, NBLK, IBLK, CHUNK)
    col3d = edge_index[1].reshape(NW, NBLK, IBLK, CHUNK)
    col3w = edge_index[1].reshape(NW, ROWS_PER_W, CHUNK)
    zeros_n = jnp.zeros((NPAD,), jnp.float32)
    zeros_nd = jnp.zeros((NPAD, D), jnp.float32)
    zeros_nc = jnp.zeros((NPAD, CPAD), jnp.float32)
    w2p = jnp.zeros((H, CPAD), jnp.float32).at[:, :C].set(W2)
    b1r = b1.reshape(1, H)
    b2p = jnp.full((1, CPAD), -1e30, jnp.float32).at[0, :C].set(b2)

    deg0, deg1 = _deg_sc(col3w, zeros_n)
    d0 = deg0[:N].reshape(N, 1)
    d1 = deg1[:N].reshape(N, 1)

    h1s, dinv = pl.pallas_call(
        _lin1_body,
        grid=(N // BN,),
        in_specs=[_row_block(D), _full((D, H)), _row_block(1), _row_block(1)],
        out_specs=[_row_block(H), _row_block(1)],
        out_shape=[
            jax.ShapeDtypeStruct((N, H), jnp.float32),
            jax.ShapeDtypeStruct((N, 1), jnp.float32),
        ],
    )(x, W1, d0, d1)

    agg1 = _agg_sc_128(h1s, row3d, col3d, zeros_nd)[:, :N]

    g = pl.pallas_call(
        _lin2_body,
        grid=(N // BN,),
        in_specs=[_agg_block(H), _row_block(H), _row_block(1),
                  _full((1, H)), _full((H, CPAD))],
        out_specs=_row_block(CPAD),
        out_shape=jax.ShapeDtypeStruct((N, CPAD), jnp.float32),
    )(agg1, h1s, dinv, b1r, w2p)

    agg2 = _agg_sc_48(g, row3d, col3d, zeros_nc)[:, :N]

    o = pl.pallas_call(
        _out_body,
        grid=(N // BN,),
        in_specs=[_agg_block(CPAD), _row_block(CPAD), _row_block(1),
                  _full((1, CPAD))],
        out_specs=_row_block(CPAD),
        out_shape=jax.ShapeDtypeStruct((N, CPAD), jnp.float32),
    )(agg2, g, dinv, b2p)

    return o[:, :C]

# --- scband reference (transcript-rebuilt; emitter-appended) ---
"""Pipeline reference for scband-kipf-gcn-49228915146887 (READ-ONLY COPY).

The authoritative reference and input builder live on the scoring server;
editing this copy changes nothing except your own understanding.
"""

import jax, jax.numpy as jnp
import numpy as np

N = 10000
E = 320000
D = 128
H = 128
C = 40


def setup_inputs(seed: int = 0) -> dict:
    key = jax.random.key(seed)
    k1, k2, k3, k4 = jax.random.split(key, 4)
    x = jax.random.normal(k1, (N, D), dtype=jnp.float32)
    edge_index = jax.random.randint(k2, (2, E), 0, N, dtype=jnp.int32)
    W1 = jax.random.normal(k3, (D, H), dtype=jnp.float32) * (1.0 / np.sqrt(D))
    b1 = jnp.zeros((H,), dtype=jnp.float32)
    W2 = jax.random.normal(k4, (H, C), dtype=jnp.float32) * (1.0 / np.sqrt(H))
    b2 = jnp.zeros((C,), dtype=jnp.float32)
    return {"x": x, "edge_index": edge_index, "W1": W1, "b1": b1, "W2": W2, "b2": b2}


def _gcn_conv(x, edge_index, W, b):
    # Kipf GCN: add self-loops, symmetric normalization, scatter-add aggregation
    row = edge_index[0]
    col = edge_index[1]
    loop = jnp.arange(N, dtype=edge_index.dtype)
    row = jnp.concatenate([row, loop])
    col = jnp.concatenate([col, loop])
    h = x @ W  # linear transform first (standard GCNConv)
    deg = jnp.zeros((N,), dtype=jnp.float32).at[col].add(1.0)
    dinv = jnp.where(deg > 0, deg ** -0.5, 0.0)
    norm = dinv[row] * dinv[col]  # gather
    msg = h[row] * norm[:, None]  # gather source features
    out = jax.ops.segment_sum(msg, col, num_segments=N)  # scatter-add to dst
    return out + b


def reference(x, edge_index, W1, b1, W2, b2):
    h = jax.nn.relu(_gcn_conv(x, edge_index, W1, b1))
    # dropout is identity in eval mode
    o = _gcn_conv(h, edge_index, W2, b2)
    return jax.nn.log_softmax(o, axis=1)

if __name__ == "__main__":
    import jax
    _d = setup_inputs()
    print(jax.jit(kernel)(*tuple(_d.values())))

</pallas_src>

<mosaic_0001>
#map = affine_map<(d0, d1) -> (0, 0, 0)>
#map1 = affine_map<(d0, d1) -> (0)>
module attributes {stable_mosaic.version = 14 : i64} {
  func.func @_deg_sc(%arg0: i32, %arg1: i32, %arg2: memref<32x125x80xi32, #tpu.memory_space<hbm>>, %arg3: memref<10240xf32, #tpu.memory_space<hbm>>, %arg4: memref<10240xf32, #tpu.memory_space<hbm>>, %arg5: memref<10240xf32, #tpu.memory_space<hbm>>, %arg6: memref<125x80xi32, #tpu.memory_space<vmem>>, %arg7: memref<80xf32, #tpu.memory_space<vmem>>, %arg8: memref<10240xf32, #tpu.memory_space<vmem_shared>>) attributes {dimension_semantics = [#tpu.dimension_semantics<core_parallel>, #tpu.dimension_semantics<subcore_parallel>], iteration_bounds = array<i64: 2, 16>, scalar_prefetch = 0 : i64, scratch_operands = 3 : i64, tpu.core_type = #tpu.core_type<sc_vector_subcore>, window_params = [{transform_indices = #map}, {transform_indices = #map1}, {transform_indices = #map1}, {transform_indices = #map1}]} {
    %mul3A = arith.constant 2 : i32
    %mul3A_0 = arith.muli %arg1, %mul3A : i32
    %add3A = arith.addi %mul3A_0, %arg0 : i32
    %mul3A_1 = arith.constant 640 : i32
    %mul3A_2 = arith.muli %arg1, %mul3A_1 : i32
    %mul3A_3 = arith.constant 640 : i32
    %mul3A_4 = arith.muli %arg1, %mul3A_3 : i32
    "tpu.region"() ({
      %run_scoped3A = tpu.sem_alloc : memref<!tpu.dma_semaphore, #tpu.memory_space<semaphore_mem>>
      %dma_start3A = tpu.memref_slice %arg8[%mul3A_4] : memref<10240xf32, #tpu.memory_space<vmem_shared>> -> memref<640xf32, #tpu.memory_space<vmem_shared>>
      %dma_start3A_46 = tpu.memref_slice %arg3[%mul3A_2] : memref<10240xf32, #tpu.memory_space<hbm>> -> memref<640xf32, #tpu.memory_space<hbm>>
      tpu.enqueue_dma source(%dma_start3A_46 : memref<640xf32, #tpu.memory_space<hbm>>) target(%dma_start3A : memref<640xf32, #tpu.memory_space<vmem_shared>>) target_semaphore(%run_scoped3A : memref<!tpu.dma_semaphore, #tpu.memory_space<semaphore_mem>>)
      %dma_wait3A = tpu.memref_slice %arg8[%mul3A_4] : memref<10240xf32, #tpu.memory_space<vmem_shared>> -> memref<640xf32, #tpu.memory_space<vmem_shared>>
      %dma_wait3A_47 = tpu.memref_slice %arg3[%mul3A_2] : memref<10240xf32, #tpu.memory_space<hbm>> -> memref<640xf32, #tpu.memory_space<hbm>>
      tpu.wait_dma2 semaphore(%run_scoped3A : memref<!tpu.dma_semaphore, #tpu.memory_space<semaphore_mem>>) src(%dma_wait3A_47 : memref<640xf32, #tpu.memory_space<hbm>>) dst(%dma_wait3A : memref<640xf32, #tpu.memory_space<vmem_shared>>)
      tpu.yield
    }) : () -> ()
    %broadcast_in_dim3A = arith.constant 1.000000e+00 : f32
    %broadcast_in_dim3A_5 = vector.broadcast %broadcast_in_dim3A : f32 to vector<16xf32>
    %swap3A = arith.constant 0 : index
    %swap3A_6 = tpu.vector_load %arg7[%swap3A] {strides = array<i32>} : memref<80xf32, #tpu.memory_space<vmem>>, vector<16xf32>,
    %swap3A_7 = vector.shape_cast %swap3A_6 : vector<16xf32> to vector<16xf32>
    %swap3A_8 = vector.shape_cast %broadcast_in_dim3A_5 : vector<16xf32> to vector<16xf32>
    tpu.vector_store %arg7[%swap3A], %swap3A_8 {strides = array<i32>} : memref<80xf32, #tpu.memory_space<vmem>>, vector<16xf32>,
    %broadcast_in_dim3A_9 = arith.constant 1.000000e+00 : f32
    %broadcast_in_dim3A_10 = vector.broadcast %broadcast_in_dim3A_9 : f32 to vector<16xf32>
    %swap3A_11 = arith.constant 16 : index
    %swap3A_12 = tpu.vector_load %arg7[%swap3A_11] {strides = array<i32>} : memref<80xf32, #tpu.memory_space<vmem>>, vector<16xf32>,
    %swap3A_13 = vector.shape_cast %swap3A_12 : vector<16xf32> to vector<16xf32>
    %swap3A_14 = vector.shape_cast %broadcast_in_dim3A_10 : vector<16xf32> to vector<16xf32>
    tpu.vector_store %arg7[%swap3A_11], %swap3A_14 {strides = array<i32>} : memref<80xf32, #tpu.memory_space<vmem>>, vector<16xf32>,
    %broadcast_in_dim3A_15 = arith.constant 1.000000e+00 : f32
    %broadcast_in_dim3A_16 = vector.broadcast %broadcast_in_dim3A_15 : f32 to vector<16xf32>
    %swap3A_17 = arith.constant 32 : index
    %swap3A_18 = tpu.vector_load %arg7[%swap3A_17] {strides = array<i32>} : memref<80xf32, #tpu.memory_space<vmem>>, vector<16xf32>,
    %swap3A_19 = vector.shape_cast %swap3A_18 : vector<16xf32> to vector<16xf32>
    %swap3A_20 = vector.shape_cast %broadcast_in_dim3A_16 : vector<16xf32> to vector<16xf32>
    tpu.vector_store %arg7[%swap3A_17], %swap3A_20 {strides = array<i32>} : memref<80xf32, #tpu.memory_space<vmem>>, vector<16xf32>,
    %broadcast_in_dim3A_21 = arith.constant 1.000000e+00 : f32
    %broadcast_in_dim3A_22 = vector.broadcast %broadcast_in_dim3A_21 : f32 to vector<16xf32>
    %swap3A_23 = arith.constant 48 : index
    %swap3A_24 = tpu.vector_load %arg7[%swap3A_23] {strides = array<i32>} : memref<80xf32, #tpu.memory_space<vmem>>, vector<16xf32>,
    %swap3A_25 = vector.shape_cast %swap3A_24 : vector<16xf32> to vector<16xf32>
    %swap3A_26 = vector.shape_cast %broadcast_in_dim3A_22 : vector<16xf32> to vector<16xf32>
    tpu.vector_store %arg7[%swap3A_23], %swap3A_26 {strides = array<i32>} : memref<80xf32, #tpu.memory_space<vmem>>, vector<16xf32>,
    %broadcast_in_dim3A_27 = arith.constant 1.000000e+00 : f32
    %broadcast_in_dim3A_28 = vector.broadcast %broadcast_in_dim3A_27 : f32 to vector<16xf32>
    %swap3A_29 = arith.constant 64 : index
    %swap3A_30 = tpu.vector_load %arg7[%swap3A_29] {strides = array<i32>} : memref<80xf32, #tpu.memory_space<vmem>>, vector<16xf32>,
    %swap3A_31 = vector.shape_cast %swap3A_30 : vector<16xf32> to vector<16xf32>
    %swap3A_32 = vector.shape_cast %broadcast_in_dim3A_28 : vector<16xf32> to vector<16xf32>
    tpu.vector_store %arg7[%swap3A_29], %swap3A_32 {strides = array<i32>} : memref<80xf32, #tpu.memory_space<vmem>>, vector<16xf32>,
    "tpu.region"() ({
      %run_scoped3A = tpu.sem_alloc : memref<!tpu.dma_semaphore, #tpu.memory_space<semaphore_mem>>
      %dma_start3A = arith.constant 0 : i32
      %dma_start3A_46 = arith.constant 0 : i32
      %dma_start3A_47 = tpu.memref_slice %arg2[%add3A, %dma_start3A, %dma_start3A_46] : memref<32x125x80xi32, #tpu.memory_space<hbm>> -> memref<1x125x80xi32, #tpu.memory_space<hbm>>
      %dma_start3A_48 = tpu.memref_squeeze %dma_start3A_47 : memref<1x125x80xi32, #tpu.memory_space<hbm>> -> memref<125x80xi32, #tpu.memory_space<hbm>>
      %dma_start3A_49 = arith.constant 0 : i32
      %dma_start3A_50 = arith.constant 0 : i32
      %dma_start3A_51 = tpu.memref_slice %arg2[%add3A, %dma_start3A_49, %dma_start3A_50] : memref<32x125x80xi32, #tpu.memory_space<hbm>> -> memref<1x125x80xi32, #tpu.memory_space<hbm>>
      %dma_start3A_52 = tpu.memref_squeeze %dma_start3A_51 : memref<1x125x80xi32, #tpu.memory_space<hbm>> -> memref<125x80xi32, #tpu.memory_space<hbm>>
      tpu.enqueue_dma source(%dma_start3A_52 : memref<125x80xi32, #tpu.memory_space<hbm>>) target(%arg6 : memref<125x80xi32, #tpu.memory_space<vmem>>) target_semaphore(%run_scoped3A : memref<!tpu.dma_semaphore, #tpu.memory_space<semaphore_mem>>)
      %dma_wait3A = arith.constant 0 : i32
      %dma_wait3A_53 = arith.constant 0 : i32
      %dma_wait3A_54 = tpu.memref_slice %arg2[%add3A, %dma_wait3A, %dma_wait3A_53] : memref<32x125x80xi32, #tpu.memory_space<hbm>> -> memref<1x125x80xi32, #tpu.memory_space<hbm>>
      %dma_wait3A_55 = tpu.memref_squeeze %dma_wait3A_54 : memref<1x125x80xi32, #tpu.memory_space<hbm>> -> memref<125x80xi32, #tpu.memory_space<hbm>>
      %dma_wait3A_56 = arith.constant 0 : i32
      %dma_wait3A_57 = arith.constant 0 : i32
      %dma_wait3A_58 = tpu.memref_slice %arg2[%add3A, %dma_wait3A_56, %dma_wait3A_57] : memref<32x125x80xi32, #tpu.memory_space<hbm>> -> memref<1x125x80xi32, #tpu.memory_space<hbm>>
      %dma_wait3A_59 = tpu.memref_squeeze %dma_wait3A_58 : memref<1x125x80xi32, #tpu.memory_space<hbm>> -> memref<125x80xi32, #tpu.memory_space<hbm>>
      tpu.wait_dma2 semaphore(%run_scoped3A : memref<!tpu.dma_semaphore, #tpu.memory_space<semaphore_mem>>) src(%dma_wait3A_59 : memref<125x80xi32, #tpu.memory_space<hbm>>) dst(%arg6 : memref<125x80xi32, #tpu.memory_space<vmem>>)
      tpu.yield
    }) : () -> ()
    %barrier3A = arith.constant 0 : index
    tpu.barrier barrier_id(%barrier3A)
    %scan3A = arith.constant 0 : i32
    %scan3A_33 = arith.constant 0 : i32
    %scan3A_34 = arith.constant 125 : i32
    %scan3A_35 = arith.addi %scan3A_33, %scan3A_34 : i32
    %scan3A_36 = arith.constant 1 : i32
    scf.for %scan3A_46 = %scan3A_33 to %scan3A_35 step %scan3A_36  : i32 {
      "tpu.region"() ({
        %run_scoped3A = tpu.sem_alloc : memref<!tpu.dma_semaphore, #tpu.memory_space<semaphore_mem>>
        %dma_start3A = arith.constant 0 : i32
        %dma_start3A_47 = tpu.memref_slice %arg6[%scan3A_46, %dma_start3A] : memref<125x80xi32, #tpu.memory_space<vmem>> -> memref<1x80xi32, #tpu.memory_space<vmem>>
        %dma_start3A_48 = tpu.memref_squeeze %dma_start3A_47 : memref<1x80xi32, #tpu.memory_space<vmem>> -> memref<80xi32, #tpu.memory_space<vmem>>
        %dma_start3A_49 = arith.constant 0 : i32
        %dma_start3A_50 = tpu.memref_slice %arg8[%dma_start3A_49] : memref<10240xf32, #tpu.memory_space<vmem_shared>> -> memref<10240xf32, #tpu.memory_space<vmem_shared>>
        tpu.enqueue_indirect_dma source(%arg7 : memref<80xf32, #tpu.memory_space<vmem>>) target(%dma_start3A_50 : memref<10240xf32, #tpu.memory_space<vmem_shared>>) offsets(%dma_start3A_48 : memref<80xi32, #tpu.memory_space<vmem>>) semaphore(%run_scoped3A : memref<!tpu.dma_semaphore, #tpu.memory_space<semaphore_mem>>) {add = true}
        %dma_wait3A = arith.constant 0 : i32
        %dma_wait3A_51 = tpu.memref_slice %arg6[%scan3A_46, %dma_wait3A] : memref<125x80xi32, #tpu.memory_space<vmem>> -> memref<1x80xi32, #tpu.memory_space<vmem>>
        %dma_wait3A_52 = tpu.memref_squeeze %dma_wait3A_51 : memref<1x80xi32, #tpu.memory_space<vmem>> -> memref<80xi32, #tpu.memory_space<vmem>>
        %dma_wait3A_53 = arith.constant 0 : i32
        %dma_wait3A_54 = tpu.memref_slice %arg8[%dma_wait3A_53] : memref<10240xf32, #tpu.memory_space<vmem_shared>> -> memref<10240xf32, #tpu.memory_space<vmem_shared>>
        tpu.wait_indirect_dma semaphore(%run_scoped3A : memref<!tpu.dma_semaphore, #tpu.memory_space<semaphore_mem>>) src(%arg7 : memref<80xf32, #tpu.memory_space<vmem>>) dst(%dma_wait3A_54 : memref<10240xf32, #tpu.memory_space<vmem_shared>>)
        tpu.yield
      }) : () -> ()
    }
    %scan3A_37 = arith.constant 125 : i32
    %barrier3A_38 = arith.constant 0 : index
    tpu.barrier barrier_id(%barrier3A_38)
    %eq3A = arith.constant 0 : i32
    %eq3A_39 = arith.cmpi eq, %arg0, %eq3A : i32
    %convert_element_type3A = arith.extui %eq3A_39 : i1 to i32
    %cond3A = arith.constant 0 : i32
    %cond3A_40 = arith.cmpi ne, %convert_element_type3A, %cond3A : i32
    scf.if %cond3A_40 {
      %mul3A_46 = arith.constant 640 : i32
      %mul3A_47 = arith.muli %arg1, %mul3A_46 : i32
      %mul3A_48 = arith.constant 640 : i32
      %mul3A_49 = arith.muli %arg1, %mul3A_48 : i32
      "tpu.region"() ({
        %run_scoped3A = tpu.sem_alloc : memref<!tpu.dma_semaphore, #tpu.memory_space<semaphore_mem>>
        %dma_start3A = tpu.memref_slice %arg4[%mul3A_49] : memref<10240xf32, #tpu.memory_space<hbm>> -> memref<640xf32, #tpu.memory_space<hbm>>
        %dma_start3A_50 = tpu.memref_slice %arg8[%mul3A_47] : memref<10240xf32, #tpu.memory_space<vmem_shared>> -> memref<640xf32, #tpu.memory_space<vmem_shared>>
        tpu.enqueue_dma source(%dma_start3A_50 : memref<640xf32, #tpu.memory_space<vmem_shared>>) target(%dma_start3A : memref<640xf32, #tpu.memory_space<hbm>>) target_semaphore(%run_scoped3A : memref<!tpu.dma_semaphore, #tpu.memory_space<semaphore_mem>>)
        %dma_wait3A = tpu.memref_slice %arg4[%mul3A_49] : memref<10240xf32, #tpu.memory_space<hbm>> -> memref<640xf32, #tpu.memory_space<hbm>>
        %dma_wait3A_51 = tpu.memref_slice %arg8[%mul3A_47] : memref<10240xf32, #tpu.memory_space<vmem_shared>> -> memref<640xf32, #tpu.memory_space<vmem_shared>>
        tpu.wait_dma2 semaphore(%run_scoped3A : memref<!tpu.dma_semaphore, #tpu.memory_space<semaphore_mem>>) src(%dma_wait3A_51 : memref<640xf32, #tpu.memory_space<vmem_shared>>) dst(%dma_wait3A : memref<640xf32, #tpu.memory_space<hbm>>)
        tpu.yield
      }) : () -> ()
    } else {
    }
    %eq3A_41 = arith.constant 1 : i32
    %eq3A_42 = arith.cmpi eq, %arg0, %eq3A_41 : i32
    %convert_element_type3A_43 = arith.extui %eq3A_42 : i1 to i32
    %cond3A_44 = arith.constant 0 : i32
    %cond3A_45 = arith.cmpi ne, %convert_element_type3A_43, %cond3A_44 : i32
    scf.if %cond3A_45 {
      %mul3A_46 = arith.constant 640 : i32
      %mul3A_47 = arith.muli %arg1, %mul3A_46 : i32
      %mul3A_48 = arith.constant 640 : i32
      %mul3A_49 = arith.muli %arg1, %mul3A_48 : i32
      "tpu.region"() ({
        %run_scoped3A = tpu.sem_alloc : memref<!tpu.dma_semaphore, #tpu.memory_space<semaphore_mem>>
        %dma_start3A = tpu.memref_slice %arg5[%mul3A_49] : memref<10240xf32, #tpu.memory_space<hbm>> -> memref<640xf32, #tpu.memory_space<hbm>>
        %dma_start3A_50 = tpu.memref_slice %arg8[%mul3A_47] : memref<10240xf32, #tpu.memory_space<vmem_shared>> -> memref<640xf32, #tpu.memory_space<vmem_shared>>
        tpu.enqueue_dma source(%dma_start3A_50 : memref<640xf32, #tpu.memory_space<vmem_shared>>) target(%dma_start3A : memref<640xf32, #tpu.memory_space<hbm>>) target_semaphore(%run_scoped3A : memref<!tpu.dma_semaphore, #tpu.memory_space<semaphore_mem>>)
        %dma_wait3A = tpu.memref_slice %arg5[%mul3A_49] : memref<10240xf32, #tpu.memory_space<hbm>> -> memref<640xf32, #tpu.memory_space<hbm>>
        %dma_wait3A_51 = tpu.memref_slice %arg8[%mul3A_47] : memref<10240xf32, #tpu.memory_space<vmem_shared>> -> memref<640xf32, #tpu.memory_space<vmem_shared>>
        tpu.wait_dma2 semaphore(%run_scoped3A : memref<!tpu.dma_semaphore, #tpu.memory_space<semaphore_mem>>) src(%dma_wait3A_51 : memref<640xf32, #tpu.memory_space<vmem_shared>>) dst(%dma_wait3A : memref<640xf32, #tpu.memory_space<hbm>>)
        tpu.yield
      }) : () -> ()
    } else {
    }
    return
  }
}

#map = affine_map<(d0, d1) -> (0, 0)>
#map1 = affine_map<(d0, d1) -> (0, 0, 0, 0)>
#map2 = affine_map<(d0, d1) -> (0, 0, 0)>
module attributes {stable_mosaic.version = 14 : i64} {
  func.func @_agg_sc(%arg0: i32, %arg1: i32, %arg2: memref<10000x48xf32, #tpu.memory_space<hbm>>, %arg3: memref<32x5x25x80xi32, #tpu.memory_space<hbm>>, %arg4: memref<32x5x25x80xi32, #tpu.memory_space<hbm>>, %arg5: memref<10240x48xf32, #tpu.memory_space<hbm>>, %arg6: memref<2x10240x48xf32, #tpu.memory_space<hbm>>, %arg7: memref<25x80xi32, #tpu.memory_space<vmem>>, %arg8: memref<25x80xi32, #tpu.memory_space<vmem>>, %arg9: memref<25x80xi32, #tpu.memory_space<vmem>>, %arg10: memref<25x80xi32, #tpu.memory_space<vmem>>, %arg11: memref<80x48xf32, #tpu.memory_space<vmem>>, %arg12: memref<80x48xf32, #tpu.memory_space<vmem>>, %arg13: memref<10240x48xf32, #tpu.memory_space<vmem_shared>>, %arg14: memref<!tpu.dma_semaphore, #tpu.memory_space<semaphore_mem>>, %arg15: memref<!tpu.dma_semaphore, #tpu.memory_space<semaphore_mem>>, %arg16: memref<!tpu.dma_semaphore, #tpu.memory_space<semaphore_mem>>, %arg17: memref<!tpu.dma_semaphore, #tpu.memory_space<semaphore_mem>>) attributes {dimension_semantics = [#tpu.dimension_semantics<core_parallel>, #tpu.dimension_semantics<subcore_parallel>], iteration_bounds = array<i64: 2, 16>, scalar_prefetch = 0 : i64, scratch_operands = 11 : i64, tpu.core_type = #tpu.core_type<sc_vector_subcore>, window_params = [{transform_indices = #map}, {transform_indices = #map1}, {transform_indices = #map1}, {transform_indices = #map}, {transform_indices = #map2}]} {
    %mul3A = arith.constant 2 : i32
    %mul3A_0 = arith.muli %arg1, %mul3A : i32
    %add3A = arith.addi %mul3A_0, %arg0 : i32
    %dma_start3A = arith.constant 0 : i32
    %dma_start3A_1 = arith.constant 0 : i32
    %dma_start3A_2 = arith.constant 0 : i32
    %dma_start3A_3 = tpu.memref_slice %arg3[%add3A, %dma_start3A, %dma_start3A_1, %dma_start3A_2] : memref<32x5x25x80xi32, #tpu.memory_space<hbm>> -> memref<1x1x25x80xi32, #tpu.memory_space<hbm>>
    %dma_start3A_4 = tpu.memref_squeeze %dma_start3A_3 : memref<1x1x25x80xi32, #tpu.memory_space<hbm>> -> memref<25x80xi32, #tpu.memory_space<hbm>>
    %dma_start3A_5 = arith.constant 0 : i32
    %dma_start3A_6 = arith.constant 0 : i32
    %dma_start3A_7 = tpu.memref_slice %arg3[%add3A, %dma_start3A, %dma_start3A_5, %dma_start3A_6] : memref<32x5x25x80xi32, #tpu.memory_space<hbm>> -> memref<1x1x25x80xi32, #tpu.memory_space<hbm>>
    %dma_start3A_8 = tpu.memref_squeeze %dma_start3A_7 : memref<1x1x25x80xi32, #tpu.memory_space<hbm>> -> memref<25x80xi32, #tpu.memory_space<hbm>>
    tpu.enqueue_dma source(%dma_start3A_8 : memref<25x80xi32, #tpu.memory_space<hbm>>) target(%arg7 : memref<25x80xi32, #tpu.memory_space<vmem>>) target_semaphore(%arg16 : memref<!tpu.dma_semaphore, #tpu.memory_space<semaphore_mem>>)
    %dma_start3A_9 = arith.constant 0 : i32
    %dma_start3A_10 = arith.constant 0 : i32
    %dma_start3A_11 = arith.constant 0 : i32
    %dma_start3A_12 = tpu.memref_slice %arg4[%add3A, %dma_start3A_9, %dma_start3A_10, %dma_start3A_11] : memref<32x5x25x80xi32, #tpu.memory_space<hbm>> -> memref<1x1x25x80xi32, #tpu.memory_space<hbm>>
    %dma_start3A_13 = tpu.memref_squeeze %dma_start3A_12 : memref<1x1x25x80xi32, #tpu.memory_space<hbm>> -> memref<25x80xi32, #tpu.memory_space<hbm>>
    %dma_start3A_14 = arith.constant 0 : i32
    %dma_start3A_15 = arith.constant 0 : i32
    %dma_start3A_16 = tpu.memref_slice %arg4[%add3A, %dma_start3A_9, %dma_start3A_14, %dma_start3A_15] : memref<32x5x25x80xi32, #tpu.memory_space<hbm>> -> memref<1x1x25x80xi32, #tpu.memory_space<hbm>>
    %dma_start3A_17 = tpu.memref_squeeze %dma_start3A_16 : memref<1x1x25x80xi32, #tpu.memory_space<hbm>> -> memref<25x80xi32, #tpu.memory_space<hbm>>
    tpu.enqueue_dma source(%dma_start3A_17 : memref<25x80xi32, #tpu.memory_space<hbm>>) target(%arg8 : memref<25x80xi32, #tpu.memory_space<vmem>>) target_semaphore(%arg16 : memref<!tpu.dma_semaphore, #tpu.memory_space<semaphore_mem>>)
    %mul3A_18 = arith.constant 640 : i32
    %mul3A_19 = arith.muli %arg1, %mul3A_18 : i32
    %mul3A_20 = arith.constant 640 : i32
    %mul3A_21 = arith.muli %arg1, %mul3A_20 : i32
    "tpu.region"() ({
      %run_scoped3A = tpu.sem_alloc : memref<!tpu.dma_semaphore, #tpu.memory_space<semaphore_mem>>
      %dma_start3A_32 = arith.constant 0 : i32
      %dma_start3A_33 = tpu.memref_slice %arg13[%mul3A_21, %dma_start3A_32] : memref<10240x48xf32, #tpu.memory_space<vmem_shared>> -> memref<640x48xf32, #tpu.memory_space<vmem_shared>>
      %dma_start3A_34 = arith.constant 0 : i32
      %dma_start3A_35 = tpu.memref_slice %arg5[%mul3A_19, %dma_start3A_34] : memref<10240x48xf32, #tpu.memory_space<hbm>> -> memref<640x48xf32, #tpu.memory_space<hbm>>
      tpu.enqueue_dma source(%dma_start3A_35 : memref<640x48xf32, #tpu.memory_space<hbm>>) target(%dma_start3A_33 : memref<640x48xf32, #tpu.memory_space<vmem_shared>>) target_semaphore(%run_scoped3A : memref<!tpu.dma_semaphore, #tpu.memory_space<semaphore_mem>>)
      %dma_wait3A = arith.constant 0 : i32
      %dma_wait3A_36 = tpu.memref_slice %arg13[%mul3A_21, %dma_wait3A] : memref<10240x48xf32, #tpu.memory_space<vmem_shared>> -> memref<640x48xf32, #tpu.memory_space<vmem_shared>>
      %dma_wait3A_37 = arith.constant 0 : i32
      %dma_wait3A_38 = tpu.memref_slice %arg5[%mul3A_19, %dma_wait3A_37] : memref<10240x48xf32, #tpu.memory_space<hbm>> -> memref<640x48xf32, #tpu.memory_space<hbm>>
      tpu.wait_dma2 semaphore(%run_scoped3A : memref<!tpu.dma_semaphore, #tpu.memory_space<semaphore_mem>>) src(%dma_wait3A_38 : memref<640x48xf32, #tpu.memory_space<hbm>>) dst(%dma_wait3A_36 : memref<640x48xf32, #tpu.memory_space<vmem_shared>>)
      tpu.yield
    }) : () -> ()
    %barrier3A = arith.constant 0 : index
    tpu.barrier barrier_id(%barrier3A)
    %scan3A = arith.constant 0 : i32
    %scan3A_22 = arith.constant 0 : i32
    %scan3A_23 = arith.constant 5 : i32
    %scan3A_24 = arith.addi %scan3A_22, %scan3A_23 : i32
    %scan3A_25 = arith.constant 1 : i32
    scf.for %scan3A_32 = %scan3A_22 to %scan3A_24 step %scan3A_25  : i32 {
      %rem3A = arith.constant 2 : i32
      %rem3A_33 = arith.remsi %scan3A_32, %rem3A : i32
      %eq3A = arith.constant 0 : i32
      %eq3A_34 = arith.cmpi eq, %rem3A_33, %eq3A : i32
      %convert_element_type3A = arith.extui %eq3A_34 : i1 to i32
      %cond3A = arith.constant 0 : i32
      %cond3A_35 = arith.cmpi ne, %convert_element_type3A, %cond3A : i32
      scf.if %cond3A_35 {
        %dma_wait3A = arith.constant 0 : i32
        %dma_wait3A_43 = arith.constant 0 : i32
        %dma_wait3A_44 = tpu.memref_slice %arg3[%add3A, %scan3A_32, %dma_wait3A, %dma_wait3A_43] : memref<32x5x25x80xi32, #tpu.memory_space<hbm>> -> memref<1x1x25x80xi32, #tpu.memory_space<hbm>>
        %dma_wait3A_45 = tpu.memref_squeeze %dma_wait3A_44 : memref<1x1x25x80xi32, #tpu.memory_space<hbm>> -> memref<25x80xi32, #tpu.memory_space<hbm>>
        %dma_wait3A_46 = arith.constant 0 : i32
        %dma_wait3A_47 = arith.constant 0 : i32
        %dma_wait3A_48 = tpu.memref_slice %arg3[%add3A, %scan3A_32, %dma_wait3A_46, %dma_wait3A_47] : memref<32x5x25x80xi32, #tpu.memory_space<hbm>> -> memref<1x1x25x80xi32, #tpu.memory_space<hbm>>
        %dma_wait3A_49 = tpu.memref_squeeze %dma_wait3A_48 : memref<1x1x25x80xi32, #tpu.memory_space<hbm>> -> memref<25x80xi32, #tpu.memory_space<hbm>>
        tpu.wait_dma2 semaphore(%arg16 : memref<!tpu.dma_semaphore, #tpu.memory_space<semaphore_mem>>) src(%dma_wait3A_49 : memref<25x80xi32, #tpu.memory_space<hbm>>) dst(%arg7 : memref<25x80xi32, #tpu.memory_space<vmem>>)
        %dma_wait3A_50 = arith.constant 0 : i32
        %dma_wait3A_51 = arith.constant 0 : i32
        %dma_wait3A_52 = tpu.memref_slice %arg4[%add3A, %scan3A_32, %dma_wait3A_50, %dma_wait3A_51] : memref<32x5x25x80xi32, #tpu.memory_space<hbm>> -> memref<1x1x25x80xi32, #tpu.memory_space<hbm>>
        %dma_wait3A_53 = tpu.memref_squeeze %dma_wait3A_52 : memref<1x1x25x80xi32, #tpu.memory_space<hbm>> -> memref<25x80xi32, #tpu.memory_space<hbm>>
        %dma_wait3A_54 = arith.constant 0 : i32
        %dma_wait3A_55 = arith.constant 0 : i32
        %dma_wait3A_56 = tpu.memref_slice %arg4[%add3A, %scan3A_32, %dma_wait3A_54, %dma_wait3A_55] : memref<32x5x25x80xi32, #tpu.memory_space<hbm>> -> memref<1x1x25x80xi32, #tpu.memory_space<hbm>>
        %dma_wait3A_57 = tpu.memref_squeeze %dma_wait3A_56 : memref<1x1x25x80xi32, #tpu.memory_space<hbm>> -> memref<25x80xi32, #tpu.memory_space<hbm>>
        tpu.wait_dma2 semaphore(%arg16 : memref<!tpu.dma_semaphore, #tpu.memory_space<semaphore_mem>>) src(%dma_wait3A_57 : memref<25x80xi32, #tpu.memory_space<hbm>>) dst(%arg8 : memref<25x80xi32, #tpu.memory_space<vmem>>)
        %add3A_58 = arith.constant 1 : i32
        %add3A_59 = arith.addi %scan3A_32, %add3A_58 : i32
        %lt3A = arith.constant 5 : i32
        %lt3A_60 = arith.cmpi slt, %add3A_59, %lt3A : i32
        %convert_element_type3A_61 = arith.extui %lt3A_60 : i1 to i32
        %cond3A_62 = arith.constant 0 : i32
        %cond3A_63 = arith.cmpi ne, %convert_element_type3A_61, %cond3A_62 : i32
        scf.if %cond3A_63 {
          %add3A_77 = arith.constant 1 : i32
          %add3A_78 = arith.addi %scan3A_32, %add3A_77 : i32
          %dma_start3A_79 = arith.constant 0 : i32
          %dma_start3A_80 = arith.constant 0 : i32
          %dma_start3A_81 = tpu.memref_slice %arg3[%add3A, %add3A_78, %dma_start3A_79, %dma_start3A_80] : memref<32x5x25x80xi32, #tpu.memory_space<hbm>> -> memref<1x1x25x80xi32, #tpu.memory_space<hbm>>
          %dma_start3A_82 = tpu.memref_squeeze %dma_start3A_81 : memref<1x1x25x80xi32, #tpu.memory_space<hbm>> -> memref<25x80xi32, #tpu.memory_space<hbm>>
          %dma_start3A_83 = arith.constant 0 : i32
          %dma_start3A_84 = arith.constant 0 : i32
          %dma_start3A_85 = tpu.memref_slice %arg3[%add3A, %add3A_78, %dma_start3A_83, %dma_start3A_84] : memref<32x5x25x80xi32, #tpu.memory_space<hbm>> -> memref<1x1x25x80xi32, #tpu.memory_space<hbm>>
          %dma_start3A_86 = tpu.memref_squeeze %dma_start3A_85 : memref<1x1x25x80xi32, #tpu.memory_space<hbm>> -> memref<25x80xi32, #tpu.memory_space<hbm>>
          tpu.enqueue_dma source(%dma_start3A_86 : memref<25x80xi32, #tpu.memory_space<hbm>>) target(%arg9 : memref<25x80xi32, #tpu.memory_space<vmem>>) target_semaphore(%arg17 : memref<!tpu.dma_semaphore, #tpu.memory_space<semaphore_mem>>)
          %add3A_87 = arith.constant 1 : i32
          %add3A_88 = arith.addi %scan3A_32, %add3A_87 : i32
          %dma_start3A_89 = arith.constant 0 : i32
          %dma_start3A_90 = arith.constant 0 : i32
          %dma_start3A_91 = tpu.memref_slice %arg4[%add3A, %add3A_88, %dma_start3A_89, %dma_start3A_90] : memref<32x5x25x80xi32, #tpu.memory_space<hbm>> -> memref<1x1x25x80xi32, #tpu.memory_space<hbm>>
          %dma_start3A_92 = tpu.memref_squeeze %dma_start3A_91 : memref<1x1x25x80xi32, #tpu.memory_space<hbm>> -> memref<25x80xi32, #tpu.memory_space<hbm>>
          %dma_start3A_93 = arith.constant 0 : i32
          %dma_start3A_94 = arith.constant 0 : i32
          %dma_start3A_95 = tpu.memref_slice %arg4[%add3A, %add3A_88, %dma_start3A_93, %dma_start3A_94] : memref<32x5x25x80xi32, #tpu.memory_space<hbm>> -> memref<1x1x25x80xi32, #tpu.memory_space<hbm>>
          %dma_start3A_96 = tpu.memref_squeeze %dma_start3A_95 : memref<1x1x25x80xi32, #tpu.memory_space<hbm>> -> memref<25x80xi32, #tpu.memory_space<hbm>>
          tpu.enqueue_dma source(%dma_start3A_96 : memref<25x80xi32, #tpu.memory_space<hbm>>) target(%arg10 : memref<25x80xi32, #tpu.memory_space<vmem>>) target_semaphore(%arg17 : memref<!tpu.dma_semaphore, #tpu.memory_space<semaphore_mem>>)
        } else {
        }
        %dma_start3A_64 = arith.constant 0 : i32
        %dma_start3A_65 = arith.constant 0 : i32
        %dma_start3A_66 = tpu.memref_slice %arg7[%dma_start3A_64, %dma_start3A_65] : memref<25x80xi32, #tpu.memory_space<vmem>> -> memref<1x80xi32, #tpu.memory_space<vmem>>
        %dma_start3A_67 = tpu.memref_squeeze %dma_start3A_66 : memref<1x80xi32, #tpu.memory_space<vmem>> -> memref<80xi32, #tpu.memory_space<vmem>>
        %dma_start3A_68 = arith.constant 0 : i32
        %dma_start3A_69 = arith.constant 0 : i32
        %dma_start3A_70 = tpu.memref_slice %arg2[%dma_start3A_68, %dma_start3A_69] : memref<10000x48xf32, #tpu.memory_space<hbm>> -> memref<10000x48xf32, #tpu.memory_space<hbm>>
        tpu.enqueue_indirect_dma source(%dma_start3A_70 : memref<10000x48xf32, #tpu.memory_space<hbm>>) target(%arg11 : memref<80x48xf32, #tpu.memory_space<vmem>>) offsets(%dma_start3A_67 : memref<80xi32, #tpu.memory_space<vmem>>) semaphore(%arg14 : memref<!tpu.dma_semaphore, #tpu.memory_space<semaphore_mem>>)
        %scan3A_71 = arith.constant 0 : i32
        %scan3A_72 = arith.constant 0 : i32
        %scan3A_73 = arith.constant 25 : i32
        %scan3A_74 = arith.addi %scan3A_72, %scan3A_73 : i32
        %scan3A_75 = arith.constant 1 : i32
        scf.for %scan3A_77 = %scan3A_72 to %scan3A_74 step %scan3A_75  : i32 {
          %add3A_78 = arith.constant 1 : i32
          %add3A_79 = arith.addi %scan3A_77, %add3A_78 : i32
          %lt3A_80 = arith.constant 25 : i32
          %lt3A_81 = arith.cmpi slt, %add3A_79, %lt3A_80 : i32
          %rem3A_82 = arith.constant 2 : i32
          %rem3A_83 = arith.remsi %add3A_79, %rem3A_82 : i32
          %eq3A_84 = arith.constant 0 : i32
          %eq3A_85 = arith.cmpi eq, %rem3A_83, %eq3A_84 : i32
          %and3A = arith.andi %lt3A_81, %eq3A_85 : i1
          %convert_element_type3A_86 = arith.extui %and3A : i1 to i32
          %cond3A_87 = arith.constant 0 : i32
          %cond3A_88 = arith.cmpi ne, %convert_element_type3A_86, %cond3A_87 : i32
          scf.if %cond3A_88 {
            %dma_start3A_113 = arith.constant 0 : i32
            %dma_start3A_114 = tpu.memref_slice %arg7[%add3A_79, %dma_start3A_113] : memref<25x80xi32, #tpu.memory_space<vmem>> -> memref<1x80xi32, #tpu.memory_space<vmem>>
            %dma_start3A_115 = tpu.memref_squeeze %dma_start3A_114 : memref<1x80xi32, #tpu.memory_space<vmem>> -> memref<80xi32, #tpu.memory_space<vmem>>
            %dma_start3A_116 = arith.constant 0 : i32
            %dma_start3A_117 = arith.constant 0 : i32
            %dma_start3A_118 = tpu.memref_slice %arg2[%dma_start3A_116, %dma_start3A_117] : memref<10000x48xf32, #tpu.memory_space<hbm>> -> memref<10000x48xf32, #tpu.memory_space<hbm>>
            tpu.enqueue_indirect_dma source(%dma_start3A_118 : memref<10000x48xf32, #tpu.memory_space<hbm>>) target(%arg11 : memref<80x48xf32, #tpu.memory_space<vmem>>) offsets(%dma_start3A_115 : memref<80xi32, #tpu.memory_space<vmem>>) semaphore(%arg14 : memref<!tpu.dma_semaphore, #tpu.memory_space<semaphore_mem>>)
          } else {
          }
          %lt3A_89 = arith.constant 25 : i32
          %lt3A_90 = arith.cmpi slt, %add3A_79, %lt3A_89 : i32
          %rem3A_91 = arith.constant 2 : i32
          %rem3A_92 = arith.remsi %add3A_79, %rem3A_91 : i32
          %eq3A_93 = arith.constant 1 : i32
          %eq3A_94 = arith.cmpi eq, %rem3A_92, %eq3A_93 : i32
          %and3A_95 = arith.andi %lt3A_90, %eq3A_94 : i1
          %convert_element_type3A_96 = arith.extui %and3A_95 : i1 to i32
          %cond3A_97 = arith.constant 0 : i32
          %cond3A_98 = arith.cmpi ne, %convert_element_type3A_96, %cond3A_97 : i32
          scf.if %cond3A_98 {
            %dma_start3A_113 = arith.constant 0 : i32
            %dma_start3A_114 = tpu.memref_slice %arg7[%add3A_79, %dma_start3A_113] : memref<25x80xi32, #tpu.memory_space<vmem>> -> memref<1x80xi32, #tpu.memory_space<vmem>>
            %dma_start3A_115 = tpu.memref_squeeze %dma_start3A_114 : memref<1x80xi32, #tpu.memory_space<vmem>> -> memref<80xi32, #tpu.memory_space<vmem>>
            %dma_start3A_116 = arith.constant 0 : i32
            %dma_start3A_117 = arith.constant 0 : i32
            %dma_start3A_118 = tpu.memref_slice %arg2[%dma_start3A_116, %dma_start3A_117] : memref<10000x48xf32, #tpu.memory_space<hbm>> -> memref<10000x48xf32, #tpu.memory_space<hbm>>
            tpu.enqueue_indirect_dma source(%dma_start3A_118 : memref<10000x48xf32, #tpu.memory_space<hbm>>) target(%arg12 : memref<80x48xf32, #tpu.memory_space<vmem>>) offsets(%dma_start3A_115 : memref<80xi32, #tpu.memory_space<vmem>>) semaphore(%arg15 : memref<!tpu.dma_semaphore, #tpu.memory_space<semaphore_mem>>)
          } else {
          }
          %rem3A_99 = arith.constant 2 : i32
          %rem3A_100 = arith.remsi %scan3A_77, %rem3A_99 : i32
          %eq3A_101 = arith.constant 0 : i32
          %eq3A_102 = arith.cmpi eq, %rem3A_100, %eq3A_101 : i32
          %convert_element_type3A_103 = arith.extui %eq3A_102 : i1 to i32
          %cond3A_104 = arith.constant 0 : i32
          %cond3A_105 = arith.cmpi ne, %convert_element_type3A_103, %cond3A_104 : i32
          scf.if %cond3A_105 {
            %dma_wait3A_113 = arith.constant 0 : i32
            %dma_wait3A_114 = tpu.memref_slice %arg7[%scan3A_77, %dma_wait3A_113] : memref<25x80xi32, #tpu.memory_space<vmem>> -> memref<1x80xi32, #tpu.memory_space<vmem>>
            %dma_wait3A_115 = tpu.memref_squeeze %dma_wait3A_114 : memref<1x80xi32, #tpu.memory_space<vmem>> -> memref<80xi32, #tpu.memory_space<vmem>>
            %dma_wait3A_116 = arith.constant 0 : i32
            %dma_wait3A_117 = arith.constant 0 : i32
            %dma_wait3A_118 = tpu.memref_slice %arg2[%dma_wait3A_116, %dma_wait3A_117] : memref<10000x48xf32, #tpu.memory_space<hbm>> -> memref<10000x48xf32, #tpu.memory_space<hbm>>
            tpu.wait_indirect_dma semaphore(%arg14 : memref<!tpu.dma_semaphore, #tpu.memory_space<semaphore_mem>>) src(%dma_wait3A_118 : memref<10000x48xf32, #tpu.memory_space<hbm>>) dst(%arg11 : memref<80x48xf32, #tpu.memory_space<vmem>>)
            "tpu.region"() ({
              %run_scoped3A = tpu.sem_alloc : memref<!tpu.dma_semaphore, #tpu.memory_space<semaphore_mem>>
              %dma_start3A_119 = arith.constant 0 : i32
              %dma_start3A_120 = tpu.memref_slice %arg8[%scan3A_77, %dma_start3A_119] : memref<25x80xi32, #tpu.memory_space<vmem>> -> memref<1x80xi32, #tpu.memory_space<vmem>>
              %dma_start3A_121 = tpu.memref_squeeze %dma_start3A_120 : memref<1x80xi32, #tpu.memory_space<vmem>> -> memref<80xi32, #tpu.memory_space<vmem>>
              %dma_start3A_122 = arith.constant 0 : i32
              %dma_start3A_123 = arith.constant 0 : i32
              %dma_start3A_124 = tpu.memref_slice %arg13[%dma_start3A_122, %dma_start3A_123] : memref<10240x48xf32, #tpu.memory_space<vmem_shared>> -> memref<10240x48xf32, #tpu.memory_space<vmem_shared>>
              tpu.enqueue_indirect_dma source(%arg11 : memref<80x48xf32, #tpu.memory_space<vmem>>) target(%dma_start3A_124 : memref<10240x48xf32, #tpu.memory_space<vmem_shared>>) offsets(%dma_start3A_121 : memref<80xi32, #tpu.memory_space<vmem>>) semaphore(%run_scoped3A : memref<!tpu.dma_semaphore, #tpu.memory_space<semaphore_mem>>) {add = true}
              %dma_wait3A_125 = arith.constant 0 : i32
              %dma_wait3A_126 = tpu.memref_slice %arg8[%scan3A_77, %dma_wait3A_125] : memref<25x80xi32, #tpu.memory_space<vmem>> -> memref<1x80xi32, #tpu.memory_space<vmem>>
              %dma_wait3A_127 = tpu.memref_squeeze %dma_wait3A_126 : memref<1x80xi32, #tpu.memory_space<vmem>> -> memref<80xi32, #tpu.memory_space<vmem>>
              %dma_wait3A_128 = arith.constant 0 : i32
              %dma_wait3A_129 = arith.constant 0 : i32
              %dma_wait3A_130 = tpu.memref_slice %arg13[%dma_wait3A_128, %dma_wait3A_129] : memref<10240x48xf32, #tpu.memory_space<vmem_shared>> -> memref<10240x48xf32, #tpu.memory_space<vmem_shared>>
              tpu.wait_indirect_dma semaphore(%run_scoped3A : memref<!tpu.dma_semaphore, #tpu.memory_space<semaphore_mem>>) src(%arg11 : memref<80x48xf32, #tpu.memory_space<vmem>>) dst(%dma_wait3A_130 : memref<10240x48xf32, #tpu.memory_space<vmem_shared>>)
              tpu.yield
            }) : () -> ()
          } else {
          }
          %rem3A_106 = arith.constant 2 : i32
          %rem3A_107 = arith.remsi %scan3A_77, %rem3A_106 : i32
          %eq3A_108 = arith.constant 1 : i32
          %eq3A_109 = arith.cmpi eq, %rem3A_107, %eq3A_108 : i32
          %convert_element_type3A_110 = arith.extui %eq3A_109 : i1 to i32
          %cond3A_111 = arith.constant 0 : i32
          %cond3A_112 = arith.cmpi ne, %convert_element_type3A_110, %cond3A_111 : i32
          scf.if %cond3A_112 {
            %dma_wait3A_113 = arith.constant 0 : i32
            %dma_wait3A_114 = tpu.memref_slice %arg7[%scan3A_77, %dma_wait3A_113] : memref<25x80xi32, #tpu.memory_space<vmem>> -> memref<1x80xi32, #tpu.memory_space<vmem>>
            %dma_wait3A_115 = tpu.memref_squeeze %dma_wait3A_114 : memref<1x80xi32, #tpu.memory_space<vmem>> -> memref<80xi32, #tpu.memory_space<vmem>>
            %dma_wait3A_116 = arith.constant 0 : i32
            %dma_wait3A_117 = arith.constant 0 : i32
            %dma_wait3A_118 = tpu.memref_slice %arg2[%dma_wait3A_116, %dma_wait3A_117] : memref<10000x48xf32, #tpu.memory_space<hbm>> -> memref<10000x48xf32, #tpu.memory_space<hbm>>
            tpu.wait_indirect_dma semaphore(%arg15 : memref<!tpu.dma_semaphore, #tpu.memory_space<semaphore_mem>>) src(%dma_wait3A_118 : memref<10000x48xf32, #tpu.memory_space<hbm>>) dst(%arg12 : memref<80x48xf32, #tpu.memory_space<vmem>>)
            "tpu.region"() ({
              %run_scoped3A = tpu.sem_alloc : memref<!tpu.dma_semaphore, #tpu.memory_space<semaphore_mem>>
              %dma_start3A_119 = arith.constant 0 : i32
              %dma_start3A_120 = tpu.memref_slice %arg8[%scan3A_77, %dma_start3A_119] : memref<25x80xi32, #tpu.memory_space<vmem>> -> memref<1x80xi32, #tpu.memory_space<vmem>>
              %dma_start3A_121 = tpu.memref_squeeze %dma_start3A_120 : memref<1x80xi32, #tpu.memory_space<vmem>> -> memref<80xi32, #tpu.memory_space<vmem>>
              %dma_start3A_122 = arith.constant 0 : i32
              %dma_start3A_123 = arith.constant 0 : i32
              %dma_start3A_124 = tpu.memref_slice %arg13[%dma_start3A_122, %dma_start3A_123] : memref<10240x48xf32, #tpu.memory_space<vmem_shared>> -> memref<10240x48xf32, #tpu.memory_space<vmem_shared>>
              tpu.enqueue_indirect_dma source(%arg12 : memref<80x48xf32, #tpu.memory_space<vmem>>) target(%dma_start3A_124 : memref<10240x48xf32, #tpu.memory_space<vmem_shared>>) offsets(%dma_start3A_121 : memref<80xi32, #tpu.memory_space<vmem>>) semaphore(%run_scoped3A : memref<!tpu.dma_semaphore, #tpu.memory_space<semaphore_mem>>) {add = true}
              %dma_wait3A_125 = arith.constant 0 : i32
              %dma_wait3A_126 = tpu.memref_slice %arg8[%scan3A_77, %dma_wait3A_125] : memref<25x80xi32, #tpu.memory_space<vmem>> -> memref<1x80xi32, #tpu.memory_space<vmem>>
              %dma_wait3A_127 = tpu.memref_squeeze %dma_wait3A_126 : memref<1x80xi32, #tpu.memory_space<vmem>> -> memref<80xi32, #tpu.memory_space<vmem>>
              %dma_wait3A_128 = arith.constant 0 : i32
              %dma_wait3A_129 = arith.constant 0 : i32
              %dma_wait3A_130 = tpu.memref_slice %arg13[%dma_wait3A_128, %dma_wait3A_129] : memref<10240x48xf32, #tpu.memory_space<vmem_shared>> -> memref<10240x48xf32, #tpu.memory_space<vmem_shared>>
              tpu.wait_indirect_dma semaphore(%run_scoped3A : memref<!tpu.dma_semaphore, #tpu.memory_space<semaphore_mem>>) src(%arg12 : memref<80x48xf32, #tpu.memory_space<vmem>>) dst(%dma_wait3A_130 : memref<10240x48xf32, #tpu.memory_space<vmem_shared>>)
              tpu.yield
            }) : () -> ()
          } else {
          }
        }
        %scan3A_76 = arith.constant 25 : i32
      } else {
      }
      %rem3A_36 = arith.constant 2 : i32
      %rem3A_37 = arith.remsi %scan3A_32, %rem3A_36 : i32
      %eq3A_38 = arith.constant 1 : i32
      %eq3A_39 = arith.cmpi eq, %rem3A_37, %eq3A_38 : i32
      %convert_element_type3A_40 = arith.extui %eq3A_39 : i1 to i32
      %cond3A_41 = arith.constant 0 : i32
      %cond3A_42 = arith.cmpi ne, %convert_element_type3A_40, %cond3A_41 : i32
      scf.if %cond3A_42 {
        %dma_wait3A = arith.constant 0 : i32
        %dma_wait3A_43 = arith.constant 0 : i32
        %dma_wait3A_44 = tpu.memref_slice %arg3[%add3A, %scan3A_32, %dma_wait3A, %dma_wait3A_43] : memref<32x5x25x80xi32, #tpu.memory_space<hbm>> -> memref<1x1x25x80xi32, #tpu.memory_space<hbm>>
        %dma_wait3A_45 = tpu.memref_squeeze %dma_wait3A_44 : memref<1x1x25x80xi32, #tpu.memory_space<hbm>> -> memref<25x80xi32, #tpu.memory_space<hbm>>
        %dma_wait3A_46 = arith.constant 0 : i32
        %dma_wait3A_47 = arith.constant 0 : i32
        %dma_wait3A_48 = tpu.memref_slice %arg3[%add3A, %scan3A_32, %dma_wait3A_46, %dma_wait3A_47] : memref<32x5x25x80xi32, #tpu.memory_space<hbm>> -> memref<1x1x25x80xi32, #tpu.memory_space<hbm>>
        %dma_wait3A_49 = tpu.memref_squeeze %dma_wait3A_48 : memref<1x1x25x80xi32, #tpu.memory_space<hbm>> -> memref<25x80xi32, #tpu.memory_space<hbm>>
        tpu.wait_dma2 semaphore(%arg17 : memref<!tpu.dma_semaphore, #tpu.memory_space<semaphore_mem>>) src(%dma_wait3A_49 : memref<25x80xi32, #tpu.memory_space<hbm>>) dst(%arg9 : memref<25x80xi32, #tpu.memory_space<vmem>>)
        %dma_wait3A_50 = arith.constant 0 : i32
        %dma_wait3A_51 = arith.constant 0 : i32
        %dma_wait3A_52 = tpu.memref_slice %arg4[%add3A, %scan3A_32, %dma_wait3A_50, %dma_wait3A_51] : memref<32x5x25x80xi32, #tpu.memory_space<hbm>> -> memref<1x1x25x80xi32, #tpu.memory_space<hbm>>
        %dma_wait3A_53 = tpu.memref_squeeze %dma_wait3A_52 : memref<1x1x25x80xi32, #tpu.memory_space<hbm>> -> memref<25x80xi32, #tpu.memory_space<hbm>>
        %dma_wait3A_54 = arith.constant 0 : i32
        %dma_wait3A_55 = arith.constant 0 : i32
        %dma_wait3A_56 = tpu.memref_slice %arg4[%add3A, %scan3A_32, %dma_wait3A_54, %dma_wait3A_55] : memref<32x5x25x80xi32, #tpu.memory_space<hbm>> -> memref<1x1x25x80xi32, #tpu.memory_space<hbm>>
        %dma_wait3A_57 = tpu.memref_squeeze %dma_wait3A_56 : memref<1x1x25x80xi32, #tpu.memory_space<hbm>> -> memref<25x80xi32, #tpu.memory_space<hbm>>
        tpu.wait_dma2 semaphore(%arg17 : memref<!tpu.dma_semaphore, #tpu.memory_space<semaphore_mem>>) src(%dma_wait3A_57 : memref<25x80xi32, #tpu.memory_space<hbm>>) dst(%arg10 : memref<25x80xi32, #tpu.memory_space<vmem>>)
        %add3A_58 = arith.constant 1 : i32
        %add3A_59 = arith.addi %scan3A_32, %add3A_58 : i32
        %lt3A = arith.constant 5 : i32
        %lt3A_60 = arith.cmpi slt, %add3A_59, %lt3A : i32
        %convert_element_type3A_61 = arith.extui %lt3A_60 : i1 to i32
        %cond3A_62 = arith.constant 0 : i32
        %cond3A_63 = arith.cmpi ne, %convert_element_type3A_61, %cond3A_62 : i32
        scf.if %cond3A_63 {
          %add3A_77 = arith.constant 1 : i32
          %add3A_78 = arith.addi %scan3A_32, %add3A_77 : i32
          %dma_start3A_79 = arith.constant 0 : i32
          %dma_start3A_80 = arith.constant 0 : i32
          %dma_start3A_81 = tpu.memref_slice %arg3[%add3A, %add3A_78, %dma_start3A_79, %dma_start3A_80] : memref<32x5x25x80xi32, #tpu.memory_space<hbm>> -> memref<1x1x25x80xi32, #tpu.memory_space<hbm>>
          %dma_start3A_82 = tpu.memref_squeeze %dma_start3A_81 : memref<1x1x25x80xi32, #tpu.memory_space<hbm>> -> memref<25x80xi32, #tpu.memory_space<hbm>>
          %dma_start3A_83 = arith.constant 0 : i32
          %dma_start3A_84 = arith.constant 0 : i32
          %dma_start3A_85 = tpu.memref_slice %arg3[%add3A, %add3A_78, %dma_start3A_83, %dma_start3A_84] : memref<32x5x25x80xi32, #tpu.memory_space<hbm>> -> memref<1x1x25x80xi32, #tpu.memory_space<hbm>>
          %dma_start3A_86 = tpu.memref_squeeze %dma_start3A_85 : memref<1x1x25x80xi32, #tpu.memory_space<hbm>> -> memref<25x80xi32, #tpu.memory_space<hbm>>
          tpu.enqueue_dma source(%dma_start3A_86 : memref<25x80xi32, #tpu.memory_space<hbm>>) target(%arg7 : memref<25x80xi32, #tpu.memory_space<vmem>>) target_semaphore(%arg16 : memref<!tpu.dma_semaphore, #tpu.memory_space<semaphore_mem>>)
          %add3A_87 = arith.constant 1 : i32
          %add3A_88 = arith.addi %scan3A_32, %add3A_87 : i32
          %dma_start3A_89 = arith.constant 0 : i32
          %dma_start3A_90 = arith.constant 0 : i32
          %dma_start3A_91 = tpu.memref_slice %arg4[%add3A, %add3A_88, %dma_start3A_89, %dma_start3A_90] : memref<32x5x25x80xi32, #tpu.memory_space<hbm>> -> memref<1x1x25x80xi32, #tpu.memory_space<hbm>>
          %dma_start3A_92 = tpu.memref_squeeze %dma_start3A_91 : memref<1x1x25x80xi32, #tpu.memory_space<hbm>> -> memref<25x80xi32, #tpu.memory_space<hbm>>
          %dma_start3A_93 = arith.constant 0 : i32
          %dma_start3A_94 = arith.constant 0 : i32
          %dma_start3A_95 = tpu.memref_slice %arg4[%add3A, %add3A_88, %dma_start3A_93, %dma_start3A_94] : memref<32x5x25x80xi32, #tpu.memory_space<hbm>> -> memref<1x1x25x80xi32, #tpu.memory_space<hbm>>
          %dma_start3A_96 = tpu.memref_squeeze %dma_start3A_95 : memref<1x1x25x80xi32, #tpu.memory_space<hbm>> -> memref<25x80xi32, #tpu.memory_space<hbm>>
          tpu.enqueue_dma source(%dma_start3A_96 : memref<25x80xi32, #tpu.memory_space<hbm>>) target(%arg8 : memref<25x80xi32, #tpu.memory_space<vmem>>) target_semaphore(%arg16 : memref<!tpu.dma_semaphore, #tpu.memory_space<semaphore_mem>>)
        } else {
        }
        %dma_start3A_64 = arith.constant 0 : i32
        %dma_start3A_65 = arith.constant 0 : i32
        %dma_start3A_66 = tpu.memref_slice %arg9[%dma_start3A_64, %dma_start3A_65] : memref<25x80xi32, #tpu.memory_space<vmem>> -> memref<1x80xi32, #tpu.memory_space<vmem>>
        %dma_start3A_67 = tpu.memref_squeeze %dma_start3A_66 : memref<1x80xi32, #tpu.memory_space<vmem>> -> memref<80xi32, #tpu.memory_space<vmem>>
        %dma_start3A_68 = arith.constant 0 : i32
        %dma_start3A_69 = arith.constant 0 : i32
        %dma_start3A_70 = tpu.memref_slice %arg2[%dma_start3A_68, %dma_start3A_69] : memref<10000x48xf32, #tpu.memory_space<hbm>> -> memref<10000x48xf32, #tpu.memory_space<hbm>>
        tpu.enqueue_indirect_dma source(%dma_start3A_70 : memref<10000x48xf32, #tpu.memory_space<hbm>>) target(%arg11 : memref<80x48xf32, #tpu.memory_space<vmem>>) offsets(%dma_start3A_67 : memref<80xi32, #tpu.memory_space<vmem>>) semaphore(%arg14 : memref<!tpu.dma_semaphore, #tpu.memory_space<semaphore_mem>>)
        %scan3A_71 = arith.constant 0 : i32
        %scan3A_72 = arith.constant 0 : i32
        %scan3A_73 = arith.constant 25 : i32
        %scan3A_74 = arith.addi %scan3A_72, %scan3A_73 : i32
        %scan3A_75 = arith.constant 1 : i32
        scf.for %scan3A_77 = %scan3A_72 to %scan3A_74 step %scan3A_75  : i32 {
          %add3A_78 = arith.constant 1 : i32
          %add3A_79 = arith.addi %scan3A_77, %add3A_78 : i32
          %lt3A_80 = arith.constant 25 : i32
          %lt3A_81 = arith.cmpi slt, %add3A_79, %lt3A_80 : i32
          %rem3A_82 = arith.constant 2 : i32
          %rem3A_83 = arith.remsi %add3A_79, %rem3A_82 : i32
          %eq3A_84 = arith.constant 0 : i32
          %eq3A_85 = arith.cmpi eq, %rem3A_83, %eq3A_84 : i32
          %and3A = arith.andi %lt3A_81, %eq3A_85 : i1
          %convert_element_type3A_86 = arith.extui %and3A : i1 to i32
          %cond3A_87 = arith.constant 0 : i32
          %cond3A_88 = arith.cmpi ne, %convert_element_type3A_86, %cond3A_87 : i32
          scf.if %cond3A_88 {
            %dma_start3A_113 = arith.constant 0 : i32
            %dma_start3A_114 = tpu.memref_slice %arg9[%add3A_79, %dma_start3A_113] : memref<25x80xi32, #tpu.memory_space<vmem>> -> memref<1x80xi32, #tpu.memory_space<vmem>>
            %dma_start3A_115 = tpu.memref_squeeze %dma_start3A_114 : memref<1x80xi32, #tpu.memory_space<vmem>> -> memref<80xi32, #tpu.memory_space<vmem>>
            %dma_start3A_116 = arith.constant 0 : i32
            %dma_start3A_117 = arith.constant 0 : i32
            %dma_start3A_118 = tpu.memref_slice %arg2[%dma_start3A_116, %dma_start3A_117] : memref<10000x48xf32, #tpu.memory_space<hbm>> -> memref<10000x48xf32, #tpu.memory_space<hbm>>
            tpu.enqueue_indirect_dma source(%dma_start3A_118 : memref<10000x48xf32, #tpu.memory_space<hbm>>) target(%arg11 : memref<80x48xf32, #tpu.memory_space<vmem>>) offsets(%dma_start3A_115 : memref<80xi32, #tpu.memory_space<vmem>>) semaphore(%arg14 : memref<!tpu.dma_semaphore, #tpu.memory_space<semaphore_mem>>)
          } else {
          }
          %lt3A_89 = arith.constant 25 : i32
          %lt3A_90 = arith.cmpi slt, %add3A_79, %lt3A_89 : i32
          %rem3A_91 = arith.constant 2 : i32
          %rem3A_92 = arith.remsi %add3A_79, %rem3A_91 : i32
          %eq3A_93 = arith.constant 1 : i32
          %eq3A_94 = arith.cmpi eq, %rem3A_92, %eq3A_93 : i32
          %and3A_95 = arith.andi %lt3A_90, %eq3A_94 : i1
          %convert_element_type3A_96 = arith.extui %and3A_95 : i1 to i32
          %cond3A_97 = arith.constant 0 : i32
          %cond3A_98 = arith.cmpi ne, %convert_element_type3A_96, %cond3A_97 : i32
          scf.if %cond3A_98 {
            %dma_start3A_113 = arith.constant 0 : i32
            %dma_start3A_114 = tpu.memref_slice %arg9[%add3A_79, %dma_start3A_113] : memref<25x80xi32, #tpu.memory_space<vmem>> -> memref<1x80xi32, #tpu.memory_space<vmem>>
            %dma_start3A_115 = tpu.memref_squeeze %dma_start3A_114 : memref<1x80xi32, #tpu.memory_space<vmem>> -> memref<80xi32, #tpu.memory_space<vmem>>
            %dma_start3A_116 = arith.constant 0 : i32
            %dma_start3A_117 = arith.constant 0 : i32
            %dma_start3A_118 = tpu.memref_slice %arg2[%dma_start3A_116, %dma_start3A_117] : memref<10000x48xf32, #tpu.memory_space<hbm>> -> memref<10000x48xf32, #tpu.memory_space<hbm>>
            tpu.enqueue_indirect_dma source(%dma_start3A_118 : memref<10000x48xf32, #tpu.memory_space<hbm>>) target(%arg12 : memref<80x48xf32, #tpu.memory_space<vmem>>) offsets(%dma_start3A_115 : memref<80xi32, #tpu.memory_space<vmem>>) semaphore(%arg15 : memref<!tpu.dma_semaphore, #tpu.memory_space<semaphore_mem>>)
          } else {
          }
          %rem3A_99 = arith.constant 2 : i32
          %rem3A_100 = arith.remsi %scan3A_77, %rem3A_99 : i32
          %eq3A_101 = arith.constant 0 : i32
          %eq3A_102 = arith.cmpi eq, %rem3A_100, %eq3A_101 : i32
          %convert_element_type3A_103 = arith.extui %eq3A_102 : i1 to i32
          %cond3A_104 = arith.constant 0 : i32
          %cond3A_105 = arith.cmpi ne, %convert_element_type3A_103, %cond3A_104 : i32
          scf.if %cond3A_105 {
            %dma_wait3A_113 = arith.constant 0 : i32
            %dma_wait3A_114 = tpu.memref_slice %arg9[%scan3A_77, %dma_wait3A_113] : memref<25x80xi32, #tpu.memory_space<vmem>> -> memref<1x80xi32, #tpu.memory_space<vmem>>
            %dma_wait3A_115 = tpu.memref_squeeze %dma_wait3A_114 : memref<1x80xi32, #tpu.memory_space<vmem>> -> memref<80xi32, #tpu.memory_space<vmem>>
            %dma_wait3A_116 = arith.constant 0 : i32
            %dma_wait3A_117 = arith.constant 0 : i32
            %dma_wait3A_118 = tpu.memref_slice %arg2[%dma_wait3A_116, %dma_wait3A_117] : memref<10000x48xf32, #tpu.memory_space<hbm>> -> memref<10000x48xf32, #tpu.memory_space<hbm>>
            tpu.wait_indirect_dma semaphore(%arg14 : memref<!tpu.dma_semaphore, #tpu.memory_space<semaphore_mem>>) src(%dma_wait3A_118 : memref<10000x48xf32, #tpu.memory_space<hbm>>) dst(%arg11 : memref<80x48xf32, #tpu.memory_space<vmem>>)
            "tpu.region"() ({
              %run_scoped3A = tpu.sem_alloc : memref<!tpu.dma_semaphore, #tpu.memory_space<semaphore_mem>>
              %dma_start3A_119 = arith.constant 0 : i32
              %dma_start3A_120 = tpu.memref_slice %arg10[%scan3A_77, %dma_start3A_119] : memref<25x80xi32, #tpu.memory_space<vmem>> -> memref<1x80xi32, #tpu.memory_space<vmem>>
              %dma_start3A_121 = tpu.memref_squeeze %dma_start3A_120 : memref<1x80xi32, #tpu.memory_space<vmem>> -> memref<80xi32, #tpu.memory_space<vmem>>
              %dma_start3A_122 = arith.constant 0 : i32
              %dma_start3A_123 = arith.constant 0 : i32
              %dma_start3A_124 = tpu.memref_slice %arg13[%dma_start3A_122, %dma_start3A_123] : memref<10240x48xf32, #tpu.memory_space<vmem_shared>> -> memref<10240x48xf32, #tpu.memory_space<vmem_shared>>
              tpu.enqueue_indirect_dma source(%arg11 : memref<80x48xf32, #tpu.memory_space<vmem>>) target(%dma_start3A_124 : memref<10240x48xf32, #tpu.memory_space<vmem_shared>>) offsets(%dma_start3A_121 : memref<80xi32, #tpu.memory_space<vmem>>) semaphore(%run_scoped3A : memref<!tpu.dma_semaphore, #tpu.memory_space<semaphore_mem>>) {add = true}
              %dma_wait3A_125 = arith.constant 0 : i32
              %dma_wait3A_126 = tpu.memref_slice %arg10[%scan3A_77, %dma_wait3A_125] : memref<25x80xi32, #tpu.memory_space<vmem>> -> memref<1x80xi32, #tpu.memory_space<vmem>>
              %dma_wait3A_127 = tpu.memref_squeeze %dma_wait3A_126 : memref<1x80xi32, #tpu.memory_space<vmem>> -> memref<80xi32, #tpu.memory_space<vmem>>
              %dma_wait3A_128 = arith.constant 0 : i32
              %dma_wait3A_129 = arith.constant 0 : i32
              %dma_wait3A_130 = tpu.memref_slice %arg13[%dma_wait3A_128, %dma_wait3A_129] : memref<10240x48xf32, #tpu.memory_space<vmem_shared>> -> memref<10240x48xf32, #tpu.memory_space<vmem_shared>>
              tpu.wait_indirect_dma semaphore(%run_scoped3A : memref<!tpu.dma_semaphore, #tpu.memory_space<semaphore_mem>>) src(%arg11 : memref<80x48xf32, #tpu.memory_space<vmem>>) dst(%dma_wait3A_130 : memref<10240x48xf32, #tpu.memory_space<vmem_shared>>)
              tpu.yield
            }) : () -> ()
          } else {
          }
          %rem3A_106 = arith.constant 2 : i32
          %rem3A_107 = arith.remsi %scan3A_77, %rem3A_106 : i32
          %eq3A_108 = arith.constant 1 : i32
          %eq3A_109 = arith.cmpi eq, %rem3A_107, %eq3A_108 : i32
          %convert_element_type3A_110 = arith.extui %eq3A_109 : i1 to i32
          %cond3A_111 = arith.constant 0 : i32
          %cond3A_112 = arith.cmpi ne, %convert_element_type3A_110, %cond3A_111 : i32
          scf.if %cond3A_112 {
            %dma_wait3A_113 = arith.constant 0 : i32
            %dma_wait3A_114 = tpu.memref_slice %arg9[%scan3A_77, %dma_wait3A_113] : memref<25x80xi32, #tpu.memory_space<vmem>> -> memref<1x80xi32, #tpu.memory_space<vmem>>
            %dma_wait3A_115 = tpu.memref_squeeze %dma_wait3A_114 : memref<1x80xi32, #tpu.memory_space<vmem>> -> memref<80xi32, #tpu.memory_space<vmem>>
            %dma_wait3A_116 = arith.constant 0 : i32
            %dma_wait3A_117 = arith.constant 0 : i32
            %dma_wait3A_118 = tpu.memref_slice %arg2[%dma_wait3A_116, %dma_wait3A_117] : memref<10000x48xf32, #tpu.memory_space<hbm>> -> memref<10000x48xf32, #tpu.memory_space<hbm>>
            tpu.wait_indirect_dma semaphore(%arg15 : memref<!tpu.dma_semaphore, #tpu.memory_space<semaphore_mem>>) src(%dma_wait3A_118 : memref<10000x48xf32, #tpu.memory_space<hbm>>) dst(%arg12 : memref<80x48xf32, #tpu.memory_space<vmem>>)
            "tpu.region"() ({
              %run_scoped3A = tpu.sem_alloc : memref<!tpu.dma_semaphore, #tpu.memory_space<semaphore_mem>>
              %dma_start3A_119 = arith.constant 0 : i32
              %dma_start3A_120 = tpu.memref_slice %arg10[%scan3A_77, %dma_start3A_119] : memref<25x80xi32, #tpu.memory_space<vmem>> -> memref<1x80xi32, #tpu.memory_space<vmem>>
              %dma_start3A_121 = tpu.memref_squeeze %dma_start3A_120 : memref<1x80xi32, #tpu.memory_space<vmem>> -> memref<80xi32, #tpu.memory_space<vmem>>
              %dma_start3A_122 = arith.constant 0 : i32
              %dma_start3A_123 = arith.constant 0 : i32
              %dma_start3A_124 = tpu.memref_slice %arg13[%dma_start3A_122, %dma_start3A_123] : memref<10240x48xf32, #tpu.memory_space<vmem_shared>> -> memref<10240x48xf32, #tpu.memory_space<vmem_shared>>
              tpu.enqueue_indirect_dma source(%arg12 : memref<80x48xf32, #tpu.memory_space<vmem>>) target(%dma_start3A_124 : memref<10240x48xf32, #tpu.memory_space<vmem_shared>>) offsets(%dma_start3A_121 : memref<80xi32, #tpu.memory_space<vmem>>) semaphore(%run_scoped3A : memref<!tpu.dma_semaphore, #tpu.memory_space<semaphore_mem>>) {add = true}
              %dma_wait3A_125 = arith.constant 0 : i32
              %dma_wait3A_126 = tpu.memref_slice %arg10[%scan3A_77, %dma_wait3A_125] : memref<25x80xi32, #tpu.memory_space<vmem>> -> memref<1x80xi32, #tpu.memory_space<vmem>>
              %dma_wait3A_127 = tpu.memref_squeeze %dma_wait3A_126 : memref<1x80xi32, #tpu.memory_space<vmem>> -> memref<80xi32, #tpu.memory_space<vmem>>
              %dma_wait3A_128 = arith.constant 0 : i32
              %dma_wait3A_129 = arith.constant 0 : i32
              %dma_wait3A_130 = tpu.memref_slice %arg13[%dma_wait3A_128, %dma_wait3A_129] : memref<10240x48xf32, #tpu.memory_space<vmem_shared>> -> memref<10240x48xf32, #tpu.memory_space<vmem_shared>>
              tpu.wait_indirect_dma semaphore(%run_scoped3A : memref<!tpu.dma_semaphore, #tpu.memory_space<semaphore_mem>>) src(%arg12 : memref<80x48xf32, #tpu.memory_space<vmem>>) dst(%dma_wait3A_130 : memref<10240x48xf32, #tpu.memory_space<vmem_shared>>)
              tpu.yield
            }) : () -> ()
          } else {
          }
        }
        %scan3A_76 = arith.constant 25 : i32
      } else {
      }
    }
    %scan3A_26 = arith.constant 5 : i32
    %barrier3A_27 = arith.constant 0 : index
    tpu.barrier barrier_id(%barrier3A_27)
    %mul3A_28 = arith.constant 640 : i32
    %mul3A_29 = arith.muli %arg1, %mul3A_28 : i32
    %mul3A_30 = arith.constant 640 : i32
    %mul3A_31 = arith.muli %arg1, %mul3A_30 : i32
    "tpu.region"() ({
      %run_scoped3A = tpu.sem_alloc : memref<!tpu.dma_semaphore, #tpu.memory_space<semaphore_mem>>
      %dma_start3A_32 = arith.constant 0 : i32
      %dma_start3A_33 = tpu.memref_slice %arg6[%arg0, %mul3A_31, %dma_start3A_32] : memref<2x10240x48xf32, #tpu.memory_space<hbm>> -> memref<1x640x48xf32, #tpu.memory_space<hbm>>
      %dma_start3A_34 = tpu.memref_squeeze %dma_start3A_33 : memref<1x640x48xf32, #tpu.memory_space<hbm>> -> memref<640x48xf32, #tpu.memory_space<hbm>>
      %dma_start3A_35 = arith.constant 0 : i32
      %dma_start3A_36 = tpu.memref_slice %arg13[%mul3A_29, %dma_start3A_35] : memref<10240x48xf32, #tpu.memory_space<vmem_shared>> -> memref<640x48xf32, #tpu.memory_space<vmem_shared>>
      tpu.enqueue_dma source(%dma_start3A_36 : memref<640x48xf32, #tpu.memory_space<vmem_shared>>) target(%dma_start3A_34 : memref<640x48xf32, #tpu.memory_space<hbm>>) target_semaphore(%run_scoped3A : memref<!tpu.dma_semaphore, #tpu.memory_space<semaphore_mem>>)
      %dma_wait3A = arith.constant 0 : i32
      %dma_wait3A_37 = tpu.memref_slice %arg6[%arg0, %mul3A_31, %dma_wait3A] : memref<2x10240x48xf32, #tpu.memory_space<hbm>> -> memref<1x640x48xf32, #tpu.memory_space<hbm>>
      %dma_wait3A_38 = tpu.memref_squeeze %dma_wait3A_37 : memref<1x640x48xf32, #tpu.memory_space<hbm>> -> memref<640x48xf32, #tpu.memory_space<hbm>>
      %dma_wait3A_39 = arith.constant 0 : i32
      %dma_wait3A_40 = tpu.memref_slice %arg13[%mul3A_29, %dma_wait3A_39] : memref<10240x48xf32, #tpu.memory_space<vmem_shared>> -> memref<640x48xf32, #tpu.memory_space<vmem_shared>>
      tpu.wait_dma2 semaphore(%run_scoped3A : memref<!tpu.dma_semaphore, #tpu.memory_space<semaphore_mem>>) src(%dma_wait3A_40 : memref<640x48xf32, #tpu.memory_space<vmem_shared>>) dst(%dma_wait3A_38 : memref<640x48xf32, #tpu.memory_space<hbm>>)
      tpu.yield
    }) : () -> ()
    return
  }
}

#map = affine_map<(d0, d1) -> (0, 0)>
#map1 = affine_map<(d0, d1) -> (0, 0, 0, 0)>
#map2 = affine_map<(d0, d1) -> (0, 0, 0)>
module attributes {stable_mosaic.version = 14 : i64} {
  func.func @_agg_sc(%arg0: i32, %arg1: i32, %arg2: memref<10000x128xf32, #tpu.memory_space<hbm>>, %arg3: memref<32x5x25x80xi32, #tpu.memory_space<hbm>>, %arg4: memref<32x5x25x80xi32, #tpu.memory_space<hbm>>, %arg5: memref<10240x128xf32, #tpu.memory_space<hbm>>, %arg6: memref<2x10240x128xf32, #tpu.memory_space<hbm>>, %arg7: memref<25x80xi32, #tpu.memory_space<vmem>>, %arg8: memref<25x80xi32, #tpu.memory_space<vmem>>, %arg9: memref<25x80xi32, #tpu.memory_space<vmem>>, %arg10: memref<25x80xi32, #tpu.memory_space<vmem>>, %arg11: memref<80x128xf32, #tpu.memory_space<vmem>>, %arg12: memref<80x128xf32, #tpu.memory_space<vmem>>, %arg13: memref<10240x128xf32, #tpu.memory_space<vmem_shared>>, %arg14: memref<!tpu.dma_semaphore, #tpu.memory_space<semaphore_mem>>, %arg15: memref<!tpu.dma_semaphore, #tpu.memory_space<semaphore_mem>>, %arg16: memref<!tpu.dma_semaphore, #tpu.memory_space<semaphore_mem>>, %arg17: memref<!tpu.dma_semaphore, #tpu.memory_space<semaphore_mem>>) attributes {dimension_semantics = [#tpu.dimension_semantics<core_parallel>, #tpu.dimension_semantics<subcore_parallel>], iteration_bounds = array<i64: 2, 16>, scalar_prefetch = 0 : i64, scratch_operands = 11 : i64, tpu.core_type = #tpu.core_type<sc_vector_subcore>, window_params = [{transform_indices = #map}, {transform_indices = #map1}, {transform_indices = #map1}, {transform_indices = #map}, {transform_indices = #map2}]} {
    %mul3A = arith.constant 2 : i32
    %mul3A_0 = arith.muli %arg1, %mul3A : i32
    %add3A = arith.addi %mul3A_0, %arg0 : i32
    %dma_start3A = arith.constant 0 : i32
    %dma_start3A_1 = arith.constant 0 : i32
    %dma_start3A_2 = arith.constant 0 : i32
    %dma_start3A_3 = tpu.memref_slice %arg3[%add3A, %dma_start3A, %dma_start3A_1, %dma_start3A_2] : memref<32x5x25x80xi32, #tpu.memory_space<hbm>> -> memref<1x1x25x80xi32, #tpu.memory_space<hbm>>
    %dma_start3A_4 = tpu.memref_squeeze %dma_start3A_3 : memref<1x1x25x80xi32, #tpu.memory_space<hbm>> -> memref<25x80xi32, #tpu.memory_space<hbm>>
    %dma_start3A_5 = arith.constant 0 : i32
    %dma_start3A_6 = arith.constant 0 : i32
    %dma_start3A_7 = tpu.memref_slice %arg3[%add3A, %dma_start3A, %dma_start3A_5, %dma_start3A_6] : memref<32x5x25x80xi32, #tpu.memory_space<hbm>> -> memref<1x1x25x80xi32, #tpu.memory_space<hbm>>
    %dma_start3A_8 = tpu.memref_squeeze %dma_start3A_7 : memref<1x1x25x80xi32, #tpu.memory_space<hbm>> -> memref<25x80xi32, #tpu.memory_space<hbm>>
    tpu.enqueue_dma source(%dma_start3A_8 : memref<25x80xi32, #tpu.memory_space<hbm>>) target(%arg7 : memref<25x80xi32, #tpu.memory_space<vmem>>) target_semaphore(%arg16 : memref<!tpu.dma_semaphore, #tpu.memory_space<semaphore_mem>>)
    %dma_start3A_9 = arith.constant 0 : i32
    %dma_start3A_10 = arith.constant 0 : i32
    %dma_start3A_11 = arith.constant 0 : i32
    %dma_start3A_12 = tpu.memref_slice %arg4[%add3A, %dma_start3A_9, %dma_start3A_10, %dma_start3A_11] : memref<32x5x25x80xi32, #tpu.memory_space<hbm>> -> memref<1x1x25x80xi32, #tpu.memory_space<hbm>>
    %dma_start3A_13 = tpu.memref_squeeze %dma_start3A_12 : memref<1x1x25x80xi32, #tpu.memory_space<hbm>> -> memref<25x80xi32, #tpu.memory_space<hbm>>
    %dma_start3A_14 = arith.constant 0 : i32
    %dma_start3A_15 = arith.constant 0 : i32
    %dma_start3A_16 = tpu.memref_slice %arg4[%add3A, %dma_start3A_9, %dma_start3A_14, %dma_start3A_15] : memref<32x5x25x80xi32, #tpu.memory_space<hbm>> -> memref<1x1x25x80xi32, #tpu.memory_space<hbm>>
    %dma_start3A_17 = tpu.memref_squeeze %dma_start3A_16 : memref<1x1x25x80xi32, #tpu.memory_space<hbm>> -> memref<25x80xi32, #tpu.memory_space<hbm>>
    tpu.enqueue_dma source(%dma_start3A_17 : memref<25x80xi32, #tpu.memory_space<hbm>>) target(%arg8 : memref<25x80xi32, #tpu.memory_space<vmem>>) target_semaphore(%arg16 : memref<!tpu.dma_semaphore, #tpu.memory_space<semaphore_mem>>)
    %mul3A_18 = arith.constant 640 : i32
    %mul3A_19 = arith.muli %arg1, %mul3A_18 : i32
    %mul3A_20 = arith.constant 640 : i32
    %mul3A_21 = arith.muli %arg1, %mul3A_20 : i32
    "tpu.region"() ({
      %run_scoped3A = tpu.sem_alloc : memref<!tpu.dma_semaphore, #tpu.memory_space<semaphore_mem>>
      %dma_start3A_32 = arith.constant 0 : i32
      %dma_start3A_33 = tpu.memref_slice %arg13[%mul3A_21, %dma_start3A_32] : memref<10240x128xf32, #tpu.memory_space<vmem_shared>> -> memref<640x128xf32, #tpu.memory_space<vmem_shared>>
      %dma_start3A_34 = arith.constant 0 : i32
      %dma_start3A_35 = tpu.memref_slice %arg5[%mul3A_19, %dma_start3A_34] : memref<10240x128xf32, #tpu.memory_space<hbm>> -> memref<640x128xf32, #tpu.memory_space<hbm>>
      tpu.enqueue_dma source(%dma_start3A_35 : memref<640x128xf32, #tpu.memory_space<hbm>>) target(%dma_start3A_33 : memref<640x128xf32, #tpu.memory_space<vmem_shared>>) target_semaphore(%run_scoped3A : memref<!tpu.dma_semaphore, #tpu.memory_space<semaphore_mem>>)
      %dma_wait3A = arith.constant 0 : i32
      %dma_wait3A_36 = tpu.memref_slice %arg13[%mul3A_21, %dma_wait3A] : memref<10240x128xf32, #tpu.memory_space<vmem_shared>> -> memref<640x128xf32, #tpu.memory_space<vmem_shared>>
      %dma_wait3A_37 = arith.constant 0 : i32
      %dma_wait3A_38 = tpu.memref_slice %arg5[%mul3A_19, %dma_wait3A_37] : memref<10240x128xf32, #tpu.memory_space<hbm>> -> memref<640x128xf32, #tpu.memory_space<hbm>>
      tpu.wait_dma2 semaphore(%run_scoped3A : memref<!tpu.dma_semaphore, #tpu.memory_space<semaphore_mem>>) src(%dma_wait3A_38 : memref<640x128xf32, #tpu.memory_space<hbm>>) dst(%dma_wait3A_36 : memref<640x128xf32, #tpu.memory_space<vmem_shared>>)
      tpu.yield
    }) : () -> ()
    %barrier3A = arith.constant 0 : index
    tpu.barrier barrier_id(%barrier3A)
    %scan3A = arith.constant 0 : i32
    %scan3A_22 = arith.constant 0 : i32
    %scan3A_23 = arith.constant 5 : i32
    %scan3A_24 = arith.addi %scan3A_22, %scan3A_23 : i32
    %scan3A_25 = arith.constant 1 : i32
    scf.for %scan3A_32 = %scan3A_22 to %scan3A_24 step %scan3A_25  : i32 {
      %rem3A = arith.constant 2 : i32
      %rem3A_33 = arith.remsi %scan3A_32, %rem3A : i32
      %eq3A = arith.constant 0 : i32
      %eq3A_34 = arith.cmpi eq, %rem3A_33, %eq3A : i32
      %convert_element_type3A = arith.extui %eq3A_34 : i1 to i32
      %cond3A = arith.constant 0 : i32
      %cond3A_35 = arith.cmpi ne, %convert_element_type3A, %cond3A : i32
      scf.if %cond3A_35 {
        %dma_wait3A = arith.constant 0 : i32
        %dma_wait3A_43 = arith.constant 0 : i32
        %dma_wait3A_44 = tpu.memref_slice %arg3[%add3A, %scan3A_32, %dma_wait3A, %dma_wait3A_43] : memref<32x5x25x80xi32, #tpu.memory_space<hbm>> -> memref<1x1x25x80xi32, #tpu.memory_space<hbm>>
        %dma_wait3A_45 = tpu.memref_squeeze %dma_wait3A_44 : memref<1x1x25x80xi32, #tpu.memory_space<hbm>> -> memref<25x80xi32, #tpu.memory_space<hbm>>
        %dma_wait3A_46 = arith.constant 0 : i32
        %dma_wait3A_47 = arith.constant 0 : i32
        %dma_wait3A_48 = tpu.memref_slice %arg3[%add3A, %scan3A_32, %dma_wait3A_46, %dma_wait3A_47] : memref<32x5x25x80xi32, #tpu.memory_space<hbm>> -> memref<1x1x25x80xi32, #tpu.memory_space<hbm>>
        %dma_wait3A_49 = tpu.memref_squeeze %dma_wait3A_48 : memref<1x1x25x80xi32, #tpu.memory_space<hbm>> -> memref<25x80xi32, #tpu.memory_space<hbm>>
        tpu.wait_dma2 semaphore(%arg16 : memref<!tpu.dma_semaphore, #tpu.memory_space<semaphore_mem>>) src(%dma_wait3A_49 : memref<25x80xi32, #tpu.memory_space<hbm>>) dst(%arg7 : memref<25x80xi32, #tpu.memory_space<vmem>>)
        %dma_wait3A_50 = arith.constant 0 : i32
        %dma_wait3A_51 = arith.constant 0 : i32
        %dma_wait3A_52 = tpu.memref_slice %arg4[%add3A, %scan3A_32, %dma_wait3A_50, %dma_wait3A_51] : memref<32x5x25x80xi32, #tpu.memory_space<hbm>> -> memref<1x1x25x80xi32, #tpu.memory_space<hbm>>
        %dma_wait3A_53 = tpu.memref_squeeze %dma_wait3A_52 : memref<1x1x25x80xi32, #tpu.memory_space<hbm>> -> memref<25x80xi32, #tpu.memory_space<hbm>>
        %dma_wait3A_54 = arith.constant 0 : i32
        %dma_wait3A_55 = arith.constant 0 : i32
        %dma_wait3A_56 = tpu.memref_slice %arg4[%add3A, %scan3A_32, %dma_wait3A_54, %dma_wait3A_55] : memref<32x5x25x80xi32, #tpu.memory_space<hbm>> -> memref<1x1x25x80xi32, #tpu.memory_space<hbm>>
        %dma_wait3A_57 = tpu.memref_squeeze %dma_wait3A_56 : memref<1x1x25x80xi32, #tpu.memory_space<hbm>> -> memref<25x80xi32, #tpu.memory_space<hbm>>
        tpu.wait_dma2 semaphore(%arg16 : memref<!tpu.dma_semaphore, #tpu.memory_space<semaphore_mem>>) src(%dma_wait3A_57 : memref<25x80xi32, #tpu.memory_space<hbm>>) dst(%arg8 : memref<25x80xi32, #tpu.memory_space<vmem>>)
        %add3A_58 = arith.constant 1 : i32
        %add3A_59 = arith.addi %scan3A_32, %add3A_58 : i32
        %lt3A = arith.constant 5 : i32
        %lt3A_60 = arith.cmpi slt, %add3A_59, %lt3A : i32
        %convert_element_type3A_61 = arith.extui %lt3A_60 : i1 to i32
        %cond3A_62 = arith.constant 0 : i32
        %cond3A_63 = arith.cmpi ne, %convert_element_type3A_61, %cond3A_62 : i32
        scf.if %cond3A_63 {
          %add3A_77 = arith.constant 1 : i32
          %add3A_78 = arith.addi %scan3A_32, %add3A_77 : i32
          %dma_start3A_79 = arith.constant 0 : i32
          %dma_start3A_80 = arith.constant 0 : i32
          %dma_start3A_81 = tpu.memref_slice %arg3[%add3A, %add3A_78, %dma_start3A_79, %dma_start3A_80] : memref<32x5x25x80xi32, #tpu.memory_space<hbm>> -> memref<1x1x25x80xi32, #tpu.memory_space<hbm>>
          %dma_start3A_82 = tpu.memref_squeeze %dma_start3A_81 : memref<1x1x25x80xi32, #tpu.memory_space<hbm>> -> memref<25x80xi32, #tpu.memory_space<hbm>>
          %dma_start3A_83 = arith.constant 0 : i32
          %dma_start3A_84 = arith.constant 0 : i32
          %dma_start3A_85 = tpu.memref_slice %arg3[%add3A, %add3A_78, %dma_start3A_83, %dma_start3A_84] : memref<32x5x25x80xi32, #tpu.memory_space<hbm>> -> memref<1x1x25x80xi32, #tpu.memory_space<hbm>>
          %dma_start3A_86 = tpu.memref_squeeze %dma_start3A_85 : memref<1x1x25x80xi32, #tpu.memory_space<hbm>> -> memref<25x80xi32, #tpu.memory_space<hbm>>
          tpu.enqueue_dma source(%dma_start3A_86 : memref<25x80xi32, #tpu.memory_space<hbm>>) target(%arg9 : memref<25x80xi32, #tpu.memory_space<vmem>>) target_semaphore(%arg17 : memref<!tpu.dma_semaphore, #tpu.memory_space<semaphore_mem>>)
          %add3A_87 = arith.constant 1 : i32
          %add3A_88 = arith.addi %scan3A_32, %add3A_87 : i32
          %dma_start3A_89 = arith.constant 0 : i32
          %dma_start3A_90 = arith.constant 0 : i32
          %dma_start3A_91 = tpu.memref_slice %arg4[%add3A, %add3A_88, %dma_start3A_89, %dma_start3A_90] : memref<32x5x25x80xi32, #tpu.memory_space<hbm>> -> memref<1x1x25x80xi32, #tpu.memory_space<hbm>>
          %dma_start3A_92 = tpu.memref_squeeze %dma_start3A_91 : memref<1x1x25x80xi32, #tpu.memory_space<hbm>> -> memref<25x80xi32, #tpu.memory_space<hbm>>
          %dma_start3A_93 = arith.constant 0 : i32
          %dma_start3A_94 = arith.constant 0 : i32
          %dma_start3A_95 = tpu.memref_slice %arg4[%add3A, %add3A_88, %dma_start3A_93, %dma_start3A_94] : memref<32x5x25x80xi32, #tpu.memory_space<hbm>> -> memref<1x1x25x80xi32, #tpu.memory_space<hbm>>
          %dma_start3A_96 = tpu.memref_squeeze %dma_start3A_95 : memref<1x1x25x80xi32, #tpu.memory_space<hbm>> -> memref<25x80xi32, #tpu.memory_space<hbm>>
          tpu.enqueue_dma source(%dma_start3A_96 : memref<25x80xi32, #tpu.memory_space<hbm>>) target(%arg10 : memref<25x80xi32, #tpu.memory_space<vmem>>) target_semaphore(%arg17 : memref<!tpu.dma_semaphore, #tpu.memory_space<semaphore_mem>>)
        } else {
        }
        %dma_start3A_64 = arith.constant 0 : i32
        %dma_start3A_65 = arith.constant 0 : i32
        %dma_start3A_66 = tpu.memref_slice %arg7[%dma_start3A_64, %dma_start3A_65] : memref<25x80xi32, #tpu.memory_space<vmem>> -> memref<1x80xi32, #tpu.memory_space<vmem>>
        %dma_start3A_67 = tpu.memref_squeeze %dma_start3A_66 : memref<1x80xi32, #tpu.memory_space<vmem>> -> memref<80xi32, #tpu.memory_space<vmem>>
        %dma_start3A_68 = arith.constant 0 : i32
        %dma_start3A_69 = arith.constant 0 : i32
        %dma_start3A_70 = tpu.memref_slice %arg2[%dma_start3A_68, %dma_start3A_69] : memref<10000x128xf32, #tpu.memory_space<hbm>> -> memref<10000x128xf32, #tpu.memory_space<hbm>>
        tpu.enqueue_indirect_dma source(%dma_start3A_70 : memref<10000x128xf32, #tpu.memory_space<hbm>>) target(%arg11 : memref<80x128xf32, #tpu.memory_space<vmem>>) offsets(%dma_start3A_67 : memref<80xi32, #tpu.memory_space<vmem>>) semaphore(%arg14 : memref<!tpu.dma_semaphore, #tpu.memory_space<semaphore_mem>>)
        %scan3A_71 = arith.constant 0 : i32
        %scan3A_72 = arith.constant 0 : i32
        %scan3A_73 = arith.constant 25 : i32
        %scan3A_74 = arith.addi %scan3A_72, %scan3A_73 : i32
        %scan3A_75 = arith.constant 1 : i32
        scf.for %scan3A_77 = %scan3A_72 to %scan3A_74 step %scan3A_75  : i32 {
          %add3A_78 = arith.constant 1 : i32
          %add3A_79 = arith.addi %scan3A_77, %add3A_78 : i32
          %lt3A_80 = arith.constant 25 : i32
          %lt3A_81 = arith.cmpi slt, %add3A_79, %lt3A_80 : i32
          %rem3A_82 = arith.constant 2 : i32
          %rem3A_83 = arith.remsi %add3A_79, %rem3A_82 : i32
          %eq3A_84 = arith.constant 0 : i32
          %eq3A_85 = arith.cmpi eq, %rem3A_83, %eq3A_84 : i32
          %and3A = arith.andi %lt3A_81, %eq3A_85 : i1
          %convert_element_type3A_86 = arith.extui %and3A : i1 to i32
          %cond3A_87 = arith.constant 0 : i32
          %cond3A_88 = arith.cmpi ne, %convert_element_type3A_86, %cond3A_87 : i32
          scf.if %cond3A_88 {
            %dma_start3A_113 = arith.constant 0 : i32
            %dma_start3A_114 = tpu.memref_slice %arg7[%add3A_79, %dma_start3A_113] : memref<25x80xi32, #tpu.memory_space<vmem>> -> memref<1x80xi32, #tpu.memory_space<vmem>>
            %dma_start3A_115 = tpu.memref_squeeze %dma_start3A_114 : memref<1x80xi32, #tpu.memory_space<vmem>> -> memref<80xi32, #tpu.memory_space<vmem>>
            %dma_start3A_116 = arith.constant 0 : i32
            %dma_start3A_117 = arith.constant 0 : i32
            %dma_start3A_118 = tpu.memref_slice %arg2[%dma_start3A_116, %dma_start3A_117] : memref<10000x128xf32, #tpu.memory_space<hbm>> -> memref<10000x128xf32, #tpu.memory_space<hbm>>
            tpu.enqueue_indirect_dma source(%dma_start3A_118 : memref<10000x128xf32, #tpu.memory_space<hbm>>) target(%arg11 : memref<80x128xf32, #tpu.memory_space<vmem>>) offsets(%dma_start3A_115 : memref<80xi32, #tpu.memory_space<vmem>>) semaphore(%arg14 : memref<!tpu.dma_semaphore, #tpu.memory_space<semaphore_mem>>)
          } else {
          }
          %lt3A_89 = arith.constant 25 : i32
          %lt3A_90 = arith.cmpi slt, %add3A_79, %lt3A_89 : i32
          %rem3A_91 = arith.constant 2 : i32
          %rem3A_92 = arith.remsi %add3A_79, %rem3A_91 : i32
          %eq3A_93 = arith.constant 1 : i32
          %eq3A_94 = arith.cmpi eq, %rem3A_92, %eq3A_93 : i32
          %and3A_95 = arith.andi %lt3A_90, %eq3A_94 : i1
          %convert_element_type3A_96 = arith.extui %and3A_95 : i1 to i32
          %cond3A_97 = arith.constant 0 : i32
          %cond3A_98 = arith.cmpi ne, %convert_element_type3A_96, %cond3A_97 : i32
          scf.if %cond3A_98 {
            %dma_start3A_113 = arith.constant 0 : i32
            %dma_start3A_114 = tpu.memref_slice %arg7[%add3A_79, %dma_start3A_113] : memref<25x80xi32, #tpu.memory_space<vmem>> -> memref<1x80xi32, #tpu.memory_space<vmem>>
            %dma_start3A_115 = tpu.memref_squeeze %dma_start3A_114 : memref<1x80xi32, #tpu.memory_space<vmem>> -> memref<80xi32, #tpu.memory_space<vmem>>
            %dma_start3A_116 = arith.constant 0 : i32
            %dma_start3A_117 = arith.constant 0 : i32
            %dma_start3A_118 = tpu.memref_slice %arg2[%dma_start3A_116, %dma_start3A_117] : memref<10000x128xf32, #tpu.memory_space<hbm>> -> memref<10000x128xf32, #tpu.memory_space<hbm>>
            tpu.enqueue_indirect_dma source(%dma_start3A_118 : memref<10000x128xf32, #tpu.memory_space<hbm>>) target(%arg12 : memref<80x128xf32, #tpu.memory_space<vmem>>) offsets(%dma_start3A_115 : memref<80xi32, #tpu.memory_space<vmem>>) semaphore(%arg15 : memref<!tpu.dma_semaphore, #tpu.memory_space<semaphore_mem>>)
          } else {
          }
          %rem3A_99 = arith.constant 2 : i32
          %rem3A_100 = arith.remsi %scan3A_77, %rem3A_99 : i32
          %eq3A_101 = arith.constant 0 : i32
          %eq3A_102 = arith.cmpi eq, %rem3A_100, %eq3A_101 : i32
          %convert_element_type3A_103 = arith.extui %eq3A_102 : i1 to i32
          %cond3A_104 = arith.constant 0 : i32
          %cond3A_105 = arith.cmpi ne, %convert_element_type3A_103, %cond3A_104 : i32
          scf.if %cond3A_105 {
            %dma_wait3A_113 = arith.constant 0 : i32
            %dma_wait3A_114 = tpu.memref_slice %arg7[%scan3A_77, %dma_wait3A_113] : memref<25x80xi32, #tpu.memory_space<vmem>> -> memref<1x80xi32, #tpu.memory_space<vmem>>
            %dma_wait3A_115 = tpu.memref_squeeze %dma_wait3A_114 : memref<1x80xi32, #tpu.memory_space<vmem>> -> memref<80xi32, #tpu.memory_space<vmem>>
            %dma_wait3A_116 = arith.constant 0 : i32
            %dma_wait3A_117 = arith.constant 0 : i32
            %dma_wait3A_118 = tpu.memref_slice %arg2[%dma_wait3A_116, %dma_wait3A_117] : memref<10000x128xf32, #tpu.memory_space<hbm>> -> memref<10000x128xf32, #tpu.memory_space<hbm>>
            tpu.wait_indirect_dma semaphore(%arg14 : memref<!tpu.dma_semaphore, #tpu.memory_space<semaphore_mem>>) src(%dma_wait3A_118 : memref<10000x128xf32, #tpu.memory_space<hbm>>) dst(%arg11 : memref<80x128xf32, #tpu.memory_space<vmem>>)
            "tpu.region"() ({
              %run_scoped3A = tpu.sem_alloc : memref<!tpu.dma_semaphore, #tpu.memory_space<semaphore_mem>>
              %dma_start3A_119 = arith.constant 0 : i32
              %dma_start3A_120 = tpu.memref_slice %arg8[%scan3A_77, %dma_start3A_119] : memref<25x80xi32, #tpu.memory_space<vmem>> -> memref<1x80xi32, #tpu.memory_space<vmem>>
              %dma_start3A_121 = tpu.memref_squeeze %dma_start3A_120 : memref<1x80xi32, #tpu.memory_space<vmem>> -> memref<80xi32, #tpu.memory_space<vmem>>
              %dma_start3A_122 = arith.constant 0 : i32
              %dma_start3A_123 = arith.constant 0 : i32
              %dma_start3A_124 = tpu.memref_slice %arg13[%dma_start3A_122, %dma_start3A_123] : memref<10240x128xf32, #tpu.memory_space<vmem_shared>> -> memref<10240x128xf32, #tpu.memory_space<vmem_shared>>
              tpu.enqueue_indirect_dma source(%arg11 : memref<80x128xf32, #tpu.memory_space<vmem>>) target(%dma_start3A_124 : memref<10240x128xf32, #tpu.memory_space<vmem_shared>>) offsets(%dma_start3A_121 : memref<80xi32, #tpu.memory_space<vmem>>) semaphore(%run_scoped3A : memref<!tpu.dma_semaphore, #tpu.memory_space<semaphore_mem>>) {add = true}
              %dma_wait3A_125 = arith.constant 0 : i32
              %dma_wait3A_126 = tpu.memref_slice %arg8[%scan3A_77, %dma_wait3A_125] : memref<25x80xi32, #tpu.memory_space<vmem>> -> memref<1x80xi32, #tpu.memory_space<vmem>>
              %dma_wait3A_127 = tpu.memref_squeeze %dma_wait3A_126 : memref<1x80xi32, #tpu.memory_space<vmem>> -> memref<80xi32, #tpu.memory_space<vmem>>
              %dma_wait3A_128 = arith.constant 0 : i32
              %dma_wait3A_129 = arith.constant 0 : i32
              %dma_wait3A_130 = tpu.memref_slice %arg13[%dma_wait3A_128, %dma_wait3A_129] : memref<10240x128xf32, #tpu.memory_space<vmem_shared>> -> memref<10240x128xf32, #tpu.memory_space<vmem_shared>>
              tpu.wait_indirect_dma semaphore(%run_scoped3A : memref<!tpu.dma_semaphore, #tpu.memory_space<semaphore_mem>>) src(%arg11 : memref<80x128xf32, #tpu.memory_space<vmem>>) dst(%dma_wait3A_130 : memref<10240x128xf32, #tpu.memory_space<vmem_shared>>)
              tpu.yield
            }) : () -> ()
          } else {
          }
          %rem3A_106 = arith.constant 2 : i32
          %rem3A_107 = arith.remsi %scan3A_77, %rem3A_106 : i32
          %eq3A_108 = arith.constant 1 : i32
          %eq3A_109 = arith.cmpi eq, %rem3A_107, %eq3A_108 : i32
          %convert_element_type3A_110 = arith.extui %eq3A_109 : i1 to i32
          %cond3A_111 = arith.constant 0 : i32
          %cond3A_112 = arith.cmpi ne, %convert_element_type3A_110, %cond3A_111 : i32
          scf.if %cond3A_112 {
            %dma_wait3A_113 = arith.constant 0 : i32
            %dma_wait3A_114 = tpu.memref_slice %arg7[%scan3A_77, %dma_wait3A_113] : memref<25x80xi32, #tpu.memory_space<vmem>> -> memref<1x80xi32, #tpu.memory_space<vmem>>
            %dma_wait3A_115 = tpu.memref_squeeze %dma_wait3A_114 : memref<1x80xi32, #tpu.memory_space<vmem>> -> memref<80xi32, #tpu.memory_space<vmem>>
            %dma_wait3A_116 = arith.constant 0 : i32
            %dma_wait3A_117 = arith.constant 0 : i32
            %dma_wait3A_118 = tpu.memref_slice %arg2[%dma_wait3A_116, %dma_wait3A_117] : memref<10000x128xf32, #tpu.memory_space<hbm>> -> memref<10000x128xf32, #tpu.memory_space<hbm>>
            tpu.wait_indirect_dma semaphore(%arg15 : memref<!tpu.dma_semaphore, #tpu.memory_space<semaphore_mem>>) src(%dma_wait3A_118 : memref<10000x128xf32, #tpu.memory_space<hbm>>) dst(%arg12 : memref<80x128xf32, #tpu.memory_space<vmem>>)
            "tpu.region"() ({
              %run_scoped3A = tpu.sem_alloc : memref<!tpu.dma_semaphore, #tpu.memory_space<semaphore_mem>>
              %dma_start3A_119 = arith.constant 0 : i32
              %dma_start3A_120 = tpu.memref_slice %arg8[%scan3A_77, %dma_start3A_119] : memref<25x80xi32, #tpu.memory_space<vmem>> -> memref<1x80xi32, #tpu.memory_space<vmem>>
              %dma_start3A_121 = tpu.memref_squeeze %dma_start3A_120 : memref<1x80xi32, #tpu.memory_space<vmem>> -> memref<80xi32, #tpu.memory_space<vmem>>
              %dma_start3A_122 = arith.constant 0 : i32
              %dma_start3A_123 = arith.constant 0 : i32
              %dma_start3A_124 = tpu.memref_slice %arg13[%dma_start3A_122, %dma_start3A_123] : memref<10240x128xf32, #tpu.memory_space<vmem_shared>> -> memref<10240x128xf32, #tpu.memory_space<vmem_shared>>
              tpu.enqueue_indirect_dma source(%arg12 : memref<80x128xf32, #tpu.memory_space<vmem>>) target(%dma_start3A_124 : memref<10240x128xf32, #tpu.memory_space<vmem_shared>>) offsets(%dma_start3A_121 : memref<80xi32, #tpu.memory_space<vmem>>) semaphore(%run_scoped3A : memref<!tpu.dma_semaphore, #tpu.memory_space<semaphore_mem>>) {add = true}
              %dma_wait3A_125 = arith.constant 0 : i32
              %dma_wait3A_126 = tpu.memref_slice %arg8[%scan3A_77, %dma_wait3A_125] : memref<25x80xi32, #tpu.memory_space<vmem>> -> memref<1x80xi32, #tpu.memory_space<vmem>>
              %dma_wait3A_127 = tpu.memref_squeeze %dma_wait3A_126 : memref<1x80xi32, #tpu.memory_space<vmem>> -> memref<80xi32, #tpu.memory_space<vmem>>
              %dma_wait3A_128 = arith.constant 0 : i32
              %dma_wait3A_129 = arith.constant 0 : i32
              %dma_wait3A_130 = tpu.memref_slice %arg13[%dma_wait3A_128, %dma_wait3A_129] : memref<10240x128xf32, #tpu.memory_space<vmem_shared>> -> memref<10240x128xf32, #tpu.memory_space<vmem_shared>>
              tpu.wait_indirect_dma semaphore(%run_scoped3A : memref<!tpu.dma_semaphore, #tpu.memory_space<semaphore_mem>>) src(%arg12 : memref<80x128xf32, #tpu.memory_space<vmem>>) dst(%dma_wait3A_130 : memref<10240x128xf32, #tpu.memory_space<vmem_shared>>)
              tpu.yield
            }) : () -> ()
          } else {
          }
        }
        %scan3A_76 = arith.constant 25 : i32
      } else {
      }
      %rem3A_36 = arith.constant 2 : i32
      %rem3A_37 = arith.remsi %scan3A_32, %rem3A_36 : i32
      %eq3A_38 = arith.constant 1 : i32
      %eq3A_39 = arith.cmpi eq, %rem3A_37, %eq3A_38 : i32
      %convert_element_type3A_40 = arith.extui %eq3A_39 : i1 to i32
      %cond3A_41 = arith.constant 0 : i32
      %cond3A_42 = arith.cmpi ne, %convert_element_type3A_40, %cond3A_41 : i32
      scf.if %cond3A_42 {
        %dma_wait3A = arith.constant 0 : i32
        %dma_wait3A_43 = arith.constant 0 : i32
        %dma_wait3A_44 = tpu.memref_slice %arg3[%add3A, %scan3A_32, %dma_wait3A, %dma_wait3A_43] : memref<32x5x25x80xi32, #tpu.memory_space<hbm>> -> memref<1x1x25x80xi32, #tpu.memory_space<hbm>>
        %dma_wait3A_45 = tpu.memref_squeeze %dma_wait3A_44 : memref<1x1x25x80xi32, #tpu.memory_space<hbm>> -> memref<25x80xi32, #tpu.memory_space<hbm>>
        %dma_wait3A_46 = arith.constant 0 : i32
        %dma_wait3A_47 = arith.constant 0 : i32
        %dma_wait3A_48 = tpu.memref_slice %arg3[%add3A, %scan3A_32, %dma_wait3A_46, %dma_wait3A_47] : memref<32x5x25x80xi32, #tpu.memory_space<hbm>> -> memref<1x1x25x80xi32, #tpu.memory_space<hbm>>
        %dma_wait3A_49 = tpu.memref_squeeze %dma_wait3A_48 : memref<1x1x25x80xi32, #tpu.memory_space<hbm>> -> memref<25x80xi32, #tpu.memory_space<hbm>>
        tpu.wait_dma2 semaphore(%arg17 : memref<!tpu.dma_semaphore, #tpu.memory_space<semaphore_mem>>) src(%dma_wait3A_49 : memref<25x80xi32, #tpu.memory_space<hbm>>) dst(%arg9 : memref<25x80xi32, #tpu.memory_space<vmem>>)
        %dma_wait3A_50 = arith.constant 0 : i32
        %dma_wait3A_51 = arith.constant 0 : i32
        %dma_wait3A_52 = tpu.memref_slice %arg4[%add3A, %scan3A_32, %dma_wait3A_50, %dma_wait3A_51] : memref<32x5x25x80xi32, #tpu.memory_space<hbm>> -> memref<1x1x25x80xi32, #tpu.memory_space<hbm>>
        %dma_wait3A_53 = tpu.memref_squeeze %dma_wait3A_52 : memref<1x1x25x80xi32, #tpu.memory_space<hbm>> -> memref<25x80xi32, #tpu.memory_space<hbm>>
        %dma_wait3A_54 = arith.constant 0 : i32
        %dma_wait3A_55 = arith.constant 0 : i32
        %dma_wait3A_56 = tpu.memref_slice %arg4[%add3A, %scan3A_32, %dma_wait3A_54, %dma_wait3A_55] : memref<32x5x25x80xi32, #tpu.memory_space<hbm>> -> memref<1x1x25x80xi32, #tpu.memory_space<hbm>>
        %dma_wait3A_57 = tpu.memref_squeeze %dma_wait3A_56 : memref<1x1x25x80xi32, #tpu.memory_space<hbm>> -> memref<25x80xi32, #tpu.memory_space<hbm>>
        tpu.wait_dma2 semaphore(%arg17 : memref<!tpu.dma_semaphore, #tpu.memory_space<semaphore_mem>>) src(%dma_wait3A_57 : memref<25x80xi32, #tpu.memory_space<hbm>>) dst(%arg10 : memref<25x80xi32, #tpu.memory_space<vmem>>)
        %add3A_58 = arith.constant 1 : i32
        %add3A_59 = arith.addi %scan3A_32, %add3A_58 : i32
        %lt3A = arith.constant 5 : i32
        %lt3A_60 = arith.cmpi slt, %add3A_59, %lt3A : i32
        %convert_element_type3A_61 = arith.extui %lt3A_60 : i1 to i32
        %cond3A_62 = arith.constant 0 : i32
        %cond3A_63 = arith.cmpi ne, %convert_element_type3A_61, %cond3A_62 : i32
        scf.if %cond3A_63 {
          %add3A_77 = arith.constant 1 : i32
          %add3A_78 = arith.addi %scan3A_32, %add3A_77 : i32
          %dma_start3A_79 = arith.constant 0 : i32
          %dma_start3A_80 = arith.constant 0 : i32
          %dma_start3A_81 = tpu.memref_slice %arg3[%add3A, %add3A_78, %dma_start3A_79, %dma_start3A_80] : memref<32x5x25x80xi32, #tpu.memory_space<hbm>> -> memref<1x1x25x80xi32, #tpu.memory_space<hbm>>
          %dma_start3A_82 = tpu.memref_squeeze %dma_start3A_81 : memref<1x1x25x80xi32, #tpu.memory_space<hbm>> -> memref<25x80xi32, #tpu.memory_space<hbm>>
          %dma_start3A_83 = arith.constant 0 : i32
          %dma_start3A_84 = arith.constant 0 : i32
          %dma_start3A_85 = tpu.memref_slice %arg3[%add3A, %add3A_78, %dma_start3A_83, %dma_start3A_84] : memref<32x5x25x80xi32, #tpu.memory_space<hbm>> -> memref<1x1x25x80xi32, #tpu.memory_space<hbm>>
          %dma_start3A_86 = tpu.memref_squeeze %dma_start3A_85 : memref<1x1x25x80xi32, #tpu.memory_space<hbm>> -> memref<25x80xi32, #tpu.memory_space<hbm>>
          tpu.enqueue_dma source(%dma_start3A_86 : memref<25x80xi32, #tpu.memory_space<hbm>>) target(%arg7 : memref<25x80xi32, #tpu.memory_space<vmem>>) target_semaphore(%arg16 : memref<!tpu.dma_semaphore, #tpu.memory_space<semaphore_mem>>)
          %add3A_87 = arith.constant 1 : i32
          %add3A_88 = arith.addi %scan3A_32, %add3A_87 : i32
          %dma_start3A_89 = arith.constant 0 : i32
          %dma_start3A_90 = arith.constant 0 : i32
          %dma_start3A_91 = tpu.memref_slice %arg4[%add3A, %add3A_88, %dma_start3A_89, %dma_start3A_90] : memref<32x5x25x80xi32, #tpu.memory_space<hbm>> -> memref<1x1x25x80xi32, #tpu.memory_space<hbm>>
          %dma_start3A_92 = tpu.memref_squeeze %dma_start3A_91 : memref<1x1x25x80xi32, #tpu.memory_space<hbm>> -> memref<25x80xi32, #tpu.memory_space<hbm>>
          %dma_start3A_93 = arith.constant 0 : i32
          %dma_start3A_94 = arith.constant 0 : i32
          %dma_start3A_95 = tpu.memref_slice %arg4[%add3A, %add3A_88, %dma_start3A_93, %dma_start3A_94] : memref<32x5x25x80xi32, #tpu.memory_space<hbm>> -> memref<1x1x25x80xi32, #tpu.memory_space<hbm>>
          %dma_start3A_96 = tpu.memref_squeeze %dma_start3A_95 : memref<1x1x25x80xi32, #tpu.memory_space<hbm>> -> memref<25x80xi32, #tpu.memory_space<hbm>>
          tpu.enqueue_dma source(%dma_start3A_96 : memref<25x80xi32, #tpu.memory_space<hbm>>) target(%arg8 : memref<25x80xi32, #tpu.memory_space<vmem>>) target_semaphore(%arg16 : memref<!tpu.dma_semaphore, #tpu.memory_space<semaphore_mem>>)
        } else {
        }
        %dma_start3A_64 = arith.constant 0 : i32
        %dma_start3A_65 = arith.constant 0 : i32
        %dma_start3A_66 = tpu.memref_slice %arg9[%dma_start3A_64, %dma_start3A_65] : memref<25x80xi32, #tpu.memory_space<vmem>> -> memref<1x80xi32, #tpu.memory_space<vmem>>
        %dma_start3A_67 = tpu.memref_squeeze %dma_start3A_66 : memref<1x80xi32, #tpu.memory_space<vmem>> -> memref<80xi32, #tpu.memory_space<vmem>>
        %dma_start3A_68 = arith.constant 0 : i32
        %dma_start3A_69 = arith.constant 0 : i32
        %dma_start3A_70 = tpu.memref_slice %arg2[%dma_start3A_68, %dma_start3A_69] : memref<10000x128xf32, #tpu.memory_space<hbm>> -> memref<10000x128xf32, #tpu.memory_space<hbm>>
        tpu.enqueue_indirect_dma source(%dma_start3A_70 : memref<10000x128xf32, #tpu.memory_space<hbm>>) target(%arg11 : memref<80x128xf32, #tpu.memory_space<vmem>>) offsets(%dma_start3A_67 : memref<80xi32, #tpu.memory_space<vmem>>) semaphore(%arg14 : memref<!tpu.dma_semaphore, #tpu.memory_space<semaphore_mem>>)
        %scan3A_71 = arith.constant 0 : i32
        %scan3A_72 = arith.constant 0 : i32
        %scan3A_73 = arith.constant 25 : i32
        %scan3A_74 = arith.addi %scan3A_72, %scan3A_73 : i32
        %scan3A_75 = arith.constant 1 : i32
        scf.for %scan3A_77 = %scan3A_72 to %scan3A_74 step %scan3A_75  : i32 {
          %add3A_78 = arith.constant 1 : i32
          %add3A_79 = arith.addi %scan3A_77, %add3A_78 : i32
          %lt3A_80 = arith.constant 25 : i32
          %lt3A_81 = arith.cmpi slt, %add3A_79, %lt3A_80 : i32
          %rem3A_82 = arith.constant 2 : i32
          %rem3A_83 = arith.remsi %add3A_79, %rem3A_82 : i32
          %eq3A_84 = arith.constant 0 : i32
          %eq3A_85 = arith.cmpi eq, %rem3A_83, %eq3A_84 : i32
          %and3A = arith.andi %lt3A_81, %eq3A_85 : i1
          %convert_element_type3A_86 = arith.extui %and3A : i1 to i32
          %cond3A_87 = arith.constant 0 : i32
          %cond3A_88 = arith.cmpi ne, %convert_element_type3A_86, %cond3A_87 : i32
          scf.if %cond3A_88 {
            %dma_start3A_113 = arith.constant 0 : i32
            %dma_start3A_114 = tpu.memref_slice %arg9[%add3A_79, %dma_start3A_113] : memref<25x80xi32, #tpu.memory_space<vmem>> -> memref<1x80xi32, #tpu.memory_space<vmem>>
            %dma_start3A_115 = tpu.memref_squeeze %dma_start3A_114 : memref<1x80xi32, #tpu.memory_space<vmem>> -> memref<80xi32, #tpu.memory_space<vmem>>
            %dma_start3A_116 = arith.constant 0 : i32
            %dma_start3A_117 = arith.constant 0 : i32
            %dma_start3A_118 = tpu.memref_slice %arg2[%dma_start3A_116, %dma_start3A_117] : memref<10000x128xf32, #tpu.memory_space<hbm>> -> memref<10000x128xf32, #tpu.memory_space<hbm>>
            tpu.enqueue_indirect_dma source(%dma_start3A_118 : memref<10000x128xf32, #tpu.memory_space<hbm>>) target(%arg11 : memref<80x128xf32, #tpu.memory_space<vmem>>) offsets(%dma_start3A_115 : memref<80xi32, #tpu.memory_space<vmem>>) semaphore(%arg14 : memref<!tpu.dma_semaphore, #tpu.memory_space<semaphore_mem>>)
          } else {
          }
          %lt3A_89 = arith.constant 25 : i32
          %lt3A_90 = arith.cmpi slt, %add3A_79, %lt3A_89 : i32
          %rem3A_91 = arith.constant 2 : i32
          %rem3A_92 = arith.remsi %add3A_79, %rem3A_91 : i32
          %eq3A_93 = arith.constant 1 : i32
          %eq3A_94 = arith.cmpi eq, %rem3A_92, %eq3A_93 : i32
          %and3A_95 = arith.andi %lt3A_90, %eq3A_94 : i1
          %convert_element_type3A_96 = arith.extui %and3A_95 : i1 to i32
          %cond3A_97 = arith.constant 0 : i32
          %cond3A_98 = arith.cmpi ne, %convert_element_type3A_96, %cond3A_97 : i32
          scf.if %cond3A_98 {
            %dma_start3A_113 = arith.constant 0 : i32
            %dma_start3A_114 = tpu.memref_slice %arg9[%add3A_79, %dma_start3A_113] : memref<25x80xi32, #tpu.memory_space<vmem>> -> memref<1x80xi32, #tpu.memory_space<vmem>>
            %dma_start3A_115 = tpu.memref_squeeze %dma_start3A_114 : memref<1x80xi32, #tpu.memory_space<vmem>> -> memref<80xi32, #tpu.memory_space<vmem>>
            %dma_start3A_116 = arith.constant 0 : i32
            %dma_start3A_117 = arith.constant 0 : i32
            %dma_start3A_118 = tpu.memref_slice %arg2[%dma_start3A_116, %dma_start3A_117] : memref<10000x128xf32, #tpu.memory_space<hbm>> -> memref<10000x128xf32, #tpu.memory_space<hbm>>
            tpu.enqueue_indirect_dma source(%dma_start3A_118 : memref<10000x128xf32, #tpu.memory_space<hbm>>) target(%arg12 : memref<80x128xf32, #tpu.memory_space<vmem>>) offsets(%dma_start3A_115 : memref<80xi32, #tpu.memory_space<vmem>>) semaphore(%arg15 : memref<!tpu.dma_semaphore, #tpu.memory_space<semaphore_mem>>)
          } else {
          }
          %rem3A_99 = arith.constant 2 : i32
          %rem3A_100 = arith.remsi %scan3A_77, %rem3A_99 : i32
          %eq3A_101 = arith.constant 0 : i32
          %eq3A_102 = arith.cmpi eq, %rem3A_100, %eq3A_101 : i32
          %convert_element_type3A_103 = arith.extui %eq3A_102 : i1 to i32
          %cond3A_104 = arith.constant 0 : i32
          %cond3A_105 = arith.cmpi ne, %convert_element_type3A_103, %cond3A_104 : i32
          scf.if %cond3A_105 {
            %dma_wait3A_113 = arith.constant 0 : i32
            %dma_wait3A_114 = tpu.memref_slice %arg9[%scan3A_77, %dma_wait3A_113] : memref<25x80xi32, #tpu.memory_space<vmem>> -> memref<1x80xi32, #tpu.memory_space<vmem>>
            %dma_wait3A_115 = tpu.memref_squeeze %dma_wait3A_114 : memref<1x80xi32, #tpu.memory_space<vmem>> -> memref<80xi32, #tpu.memory_space<vmem>>
            %dma_wait3A_116 = arith.constant 0 : i32
            %dma_wait3A_117 = arith.constant 0 : i32
            %dma_wait3A_118 = tpu.memref_slice %arg2[%dma_wait3A_116, %dma_wait3A_117] : memref<10000x128xf32, #tpu.memory_space<hbm>> -> memref<10000x128xf32, #tpu.memory_space<hbm>>
            tpu.wait_indirect_dma semaphore(%arg14 : memref<!tpu.dma_semaphore, #tpu.memory_space<semaphore_mem>>) src(%dma_wait3A_118 : memref<10000x128xf32, #tpu.memory_space<hbm>>) dst(%arg11 : memref<80x128xf32, #tpu.memory_space<vmem>>)
            "tpu.region"() ({
              %run_scoped3A = tpu.sem_alloc : memref<!tpu.dma_semaphore, #tpu.memory_space<semaphore_mem>>
              %dma_start3A_119 = arith.constant 0 : i32
              %dma_start3A_120 = tpu.memref_slice %arg10[%scan3A_77, %dma_start3A_119] : memref<25x80xi32, #tpu.memory_space<vmem>> -> memref<1x80xi32, #tpu.memory_space<vmem>>
              %dma_start3A_121 = tpu.memref_squeeze %dma_start3A_120 : memref<1x80xi32, #tpu.memory_space<vmem>> -> memref<80xi32, #tpu.memory_space<vmem>>
              %dma_start3A_122 = arith.constant 0 : i32
              %dma_start3A_123 = arith.constant 0 : i32
              %dma_start3A_124 = tpu.memref_slice %arg13[%dma_start3A_122, %dma_start3A_123] : memref<10240x128xf32, #tpu.memory_space<vmem_shared>> -> memref<10240x128xf32, #tpu.memory_space<vmem_shared>>
              tpu.enqueue_indirect_dma source(%arg11 : memref<80x128xf32, #tpu.memory_space<vmem>>) target(%dma_start3A_124 : memref<10240x128xf32, #tpu.memory_space<vmem_shared>>) offsets(%dma_start3A_121 : memref<80xi32, #tpu.memory_space<vmem>>) semaphore(%run_scoped3A : memref<!tpu.dma_semaphore, #tpu.memory_space<semaphore_mem>>) {add = true}
              %dma_wait3A_125 = arith.constant 0 : i32
              %dma_wait3A_126 = tpu.memref_slice %arg10[%scan3A_77, %dma_wait3A_125] : memref<25x80xi32, #tpu.memory_space<vmem>> -> memref<1x80xi32, #tpu.memory_space<vmem>>
              %dma_wait3A_127 = tpu.memref_squeeze %dma_wait3A_126 : memref<1x80xi32, #tpu.memory_space<vmem>> -> memref<80xi32, #tpu.memory_space<vmem>>
              %dma_wait3A_128 = arith.constant 0 : i32
              %dma_wait3A_129 = arith.constant 0 : i32
              %dma_wait3A_130 = tpu.memref_slice %arg13[%dma_wait3A_128, %dma_wait3A_129] : memref<10240x128xf32, #tpu.memory_space<vmem_shared>> -> memref<10240x128xf32, #tpu.memory_space<vmem_shared>>
              tpu.wait_indirect_dma semaphore(%run_scoped3A : memref<!tpu.dma_semaphore, #tpu.memory_space<semaphore_mem>>) src(%arg11 : memref<80x128xf32, #tpu.memory_space<vmem>>) dst(%dma_wait3A_130 : memref<10240x128xf32, #tpu.memory_space<vmem_shared>>)
              tpu.yield
            }) : () -> ()
          } else {
          }
          %rem3A_106 = arith.constant 2 : i32
          %rem3A_107 = arith.remsi %scan3A_77, %rem3A_106 : i32
          %eq3A_108 = arith.constant 1 : i32
          %eq3A_109 = arith.cmpi eq, %rem3A_107, %eq3A_108 : i32
          %convert_element_type3A_110 = arith.extui %eq3A_109 : i1 to i32
          %cond3A_111 = arith.constant 0 : i32
          %cond3A_112 = arith.cmpi ne, %convert_element_type3A_110, %cond3A_111 : i32
          scf.if %cond3A_112 {
            %dma_wait3A_113 = arith.constant 0 : i32
            %dma_wait3A_114 = tpu.memref_slice %arg9[%scan3A_77, %dma_wait3A_113] : memref<25x80xi32, #tpu.memory_space<vmem>> -> memref<1x80xi32, #tpu.memory_space<vmem>>
            %dma_wait3A_115 = tpu.memref_squeeze %dma_wait3A_114 : memref<1x80xi32, #tpu.memory_space<vmem>> -> memref<80xi32, #tpu.memory_space<vmem>>
            %dma_wait3A_116 = arith.constant 0 : i32
            %dma_wait3A_117 = arith.constant 0 : i32
            %dma_wait3A_118 = tpu.memref_slice %arg2[%dma_wait3A_116, %dma_wait3A_117] : memref<10000x128xf32, #tpu.memory_space<hbm>> -> memref<10000x128xf32, #tpu.memory_space<hbm>>
            tpu.wait_indirect_dma semaphore(%arg15 : memref<!tpu.dma_semaphore, #tpu.memory_space<semaphore_mem>>) src(%dma_wait3A_118 : memref<10000x128xf32, #tpu.memory_space<hbm>>) dst(%arg12 : memref<80x128xf32, #tpu.memory_space<vmem>>)
            "tpu.region"() ({
              %run_scoped3A = tpu.sem_alloc : memref<!tpu.dma_semaphore, #tpu.memory_space<semaphore_mem>>
              %dma_start3A_119 = arith.constant 0 : i32
              %dma_start3A_120 = tpu.memref_slice %arg10[%scan3A_77, %dma_start3A_119] : memref<25x80xi32, #tpu.memory_space<vmem>> -> memref<1x80xi32, #tpu.memory_space<vmem>>
              %dma_start3A_121 = tpu.memref_squeeze %dma_start3A_120 : memref<1x80xi32, #tpu.memory_space<vmem>> -> memref<80xi32, #tpu.memory_space<vmem>>
              %dma_start3A_122 = arith.constant 0 : i32
              %dma_start3A_123 = arith.constant 0 : i32
              %dma_start3A_124 = tpu.memref_slice %arg13[%dma_start3A_122, %dma_start3A_123] : memref<10240x128xf32, #tpu.memory_space<vmem_shared>> -> memref<10240x128xf32, #tpu.memory_space<vmem_shared>>
              tpu.enqueue_indirect_dma source(%arg12 : memref<80x128xf32, #tpu.memory_space<vmem>>) target(%dma_start3A_124 : memref<10240x128xf32, #tpu.memory_space<vmem_shared>>) offsets(%dma_start3A_121 : memref<80xi32, #tpu.memory_space<vmem>>) semaphore(%run_scoped3A : memref<!tpu.dma_semaphore, #tpu.memory_space<semaphore_mem>>) {add = true}
              %dma_wait3A_125 = arith.constant 0 : i32
              %dma_wait3A_126 = tpu.memref_slice %arg10[%scan3A_77, %dma_wait3A_125] : memref<25x80xi32, #tpu.memory_space<vmem>> -> memref<1x80xi32, #tpu.memory_space<vmem>>
              %dma_wait3A_127 = tpu.memref_squeeze %dma_wait3A_126 : memref<1x80xi32, #tpu.memory_space<vmem>> -> memref<80xi32, #tpu.memory_space<vmem>>
              %dma_wait3A_128 = arith.constant 0 : i32
              %dma_wait3A_129 = arith.constant 0 : i32
              %dma_wait3A_130 = tpu.memref_slice %arg13[%dma_wait3A_128, %dma_wait3A_129] : memref<10240x128xf32, #tpu.memory_space<vmem_shared>> -> memref<10240x128xf32, #tpu.memory_space<vmem_shared>>
              tpu.wait_indirect_dma semaphore(%run_scoped3A : memref<!tpu.dma_semaphore, #tpu.memory_space<semaphore_mem>>) src(%arg12 : memref<80x128xf32, #tpu.memory_space<vmem>>) dst(%dma_wait3A_130 : memref<10240x128xf32, #tpu.memory_space<vmem_shared>>)
              tpu.yield
            }) : () -> ()
          } else {
          }
        }
        %scan3A_76 = arith.constant 25 : i32
      } else {
      }
    }
    %scan3A_26 = arith.constant 5 : i32
    %barrier3A_27 = arith.constant 0 : index
    tpu.barrier barrier_id(%barrier3A_27)
    %mul3A_28 = arith.constant 640 : i32
    %mul3A_29 = arith.muli %arg1, %mul3A_28 : i32
    %mul3A_30 = arith.constant 640 : i32
    %mul3A_31 = arith.muli %arg1, %mul3A_30 : i32
    "tpu.region"() ({
      %run_scoped3A = tpu.sem_alloc : memref<!tpu.dma_semaphore, #tpu.memory_space<semaphore_mem>>
      %dma_start3A_32 = arith.constant 0 : i32
      %dma_start3A_33 = tpu.memref_slice %arg6[%arg0, %mul3A_31, %dma_start3A_32] : memref<2x10240x128xf32, #tpu.memory_space<hbm>> -> memref<1x640x128xf32, #tpu.memory_space<hbm>>
      %dma_start3A_34 = tpu.memref_squeeze %dma_start3A_33 : memref<1x640x128xf32, #tpu.memory_space<hbm>> -> memref<640x128xf32, #tpu.memory_space<hbm>>
      %dma_start3A_35 = arith.constant 0 : i32
      %dma_start3A_36 = tpu.memref_slice %arg13[%mul3A_29, %dma_start3A_35] : memref<10240x128xf32, #tpu.memory_space<vmem_shared>> -> memref<640x128xf32, #tpu.memory_space<vmem_shared>>
      tpu.enqueue_dma source(%dma_start3A_36 : memref<640x128xf32, #tpu.memory_space<vmem_shared>>) target(%dma_start3A_34 : memref<640x128xf32, #tpu.memory_space<hbm>>) target_semaphore(%run_scoped3A : memref<!tpu.dma_semaphore, #tpu.memory_space<semaphore_mem>>)
      %dma_wait3A = arith.constant 0 : i32
      %dma_wait3A_37 = tpu.memref_slice %arg6[%arg0, %mul3A_31, %dma_wait3A] : memref<2x10240x128xf32, #tpu.memory_space<hbm>> -> memref<1x640x128xf32, #tpu.memory_space<hbm>>
      %dma_wait3A_38 = tpu.memref_squeeze %dma_wait3A_37 : memref<1x640x128xf32, #tpu.memory_space<hbm>> -> memref<640x128xf32, #tpu.memory_space<hbm>>
      %dma_wait3A_39 = arith.constant 0 : i32
      %dma_wait3A_40 = tpu.memref_slice %arg13[%mul3A_29, %dma_wait3A_39] : memref<10240x128xf32, #tpu.memory_space<vmem_shared>> -> memref<640x128xf32, #tpu.memory_space<vmem_shared>>
      tpu.wait_dma2 semaphore(%run_scoped3A : memref<!tpu.dma_semaphore, #tpu.memory_space<semaphore_mem>>) src(%dma_wait3A_40 : memref<640x128xf32, #tpu.memory_space<vmem_shared>>) dst(%dma_wait3A_38 : memref<640x128xf32, #tpu.memory_space<hbm>>)
      tpu.yield
    }) : () -> ()
    return
  }
}

module attributes {stable_mosaic.version = 14 : i64} {
  func.func @_lin1_body(%arg0: i32, %arg1: memref<400x128xf32, #tpu.memory_space<vmem>>, %arg2: memref<128x128xf32, #tpu.memory_space<vmem>>, %arg3: memref<400x1xf32, #tpu.memory_space<vmem>>, %arg4: memref<400x1xf32, #tpu.memory_space<vmem>>, %arg5: memref<400x128xf32, #tpu.memory_space<vmem>>, %arg6: memref<400x1xf32, #tpu.memory_space<vmem>>) attributes {dimension_semantics = [#tpu.dimension_semantics<arbitrary>], iteration_bounds = array<i64: 25>, scalar_prefetch = 0 : i64, scratch_operands = 0 : i64, tpu.core_type = #tpu.core_type<tc>, window_params = [{transform_indices = @transform_0, window_bounds = array<i64: 400, 128>}, {pipeline_mode = #tpu.pipeline_mode<synchronous>, transform_indices = @transform_1, window_bounds = array<i64: 128, 128>}, {transform_indices = @transform_2, window_bounds = array<i64: 400, 1>}, {transform_indices = @transform_3, window_bounds = array<i64: 400, 1>}, {transform_indices = @transform_4, window_bounds = array<i64: 400, 128>}, {transform_indices = @transform_5, window_bounds = array<i64: 400, 1>}]} {
    %get3A = arith.constant 0 : index
    %get3A_0 = arith.constant 0 : index
    %get3A_1 = vector.load %arg3[%get3A, %get3A_0] : memref<400x1xf32, #tpu.memory_space<vmem>>, vector<400x1xf32>
    %get3A_2 = arith.constant 0 : index
    %get3A_3 = arith.constant 0 : index
    %get3A_4 = vector.load %arg4[%get3A_2, %get3A_3] : memref<400x1xf32, #tpu.memory_space<vmem>>, vector<400x1xf32>
    %add3A = arith.addf %get3A_1, %get3A_4 : vector<400x1xf32>
    %add3A_5 = arith.constant 1.000000e+00 : f32
    %add3A_6 = vector.broadcast %add3A_5 : f32 to vector<400x1xf32>
    %add3A_7 = arith.addf %add3A, %add3A_6 : vector<400x1xf32>
    %rsqrt3A = math.rsqrt %add3A_7 : vector<400x1xf32>
    %get3A_8 = arith.constant 0 : index
    %get3A_9 = arith.constant 0 : index
    %get3A_10 = vector.load %arg1[%get3A_8, %get3A_9] : memref<400x128xf32, #tpu.memory_space<vmem>>, vector<400x128xf32>
    %get3A_11 = arith.constant 0 : index
    %get3A_12 = arith.constant 0 : index
    %get3A_13 = vector.load %arg2[%get3A_11, %get3A_12] : memref<128x128xf32, #tpu.memory_space<vmem>>, vector<128x128xf32>
    %dot_general3A = arith.constant dense<0.000000e+00> : vector<400x128xf32>
    %dot_general3A_14 = tpu.matmul %get3A_10, %get3A_13, %dot_general3A {dimension_numbers = #tpu.dot_dimension_numbers<[1], [0], [0], [1], [0, 0, 1, 1], [], []>, transpose_lhs_hint = false} : vector<400x128xf32>, vector<128x128xf32>, vector<400x128xf32> -> vector<400x128xf32>
    %mul3A = vector.broadcast %rsqrt3A : vector<400x1xf32> to vector<400x128xf32>
    %mul3A_15 = arith.mulf %dot_general3A_14, %mul3A : vector<400x128xf32>
    %swap3A = arith.constant 0 : index
    %swap3A_16 = arith.constant 0 : index
    %swap3A_17 = vector.load %arg5[%swap3A, %swap3A_16] : memref<400x128xf32, #tpu.memory_space<vmem>>, vector<400x128xf32>
    tpu.vector_store %arg5[%swap3A, %swap3A_16], %mul3A_15 {strides = array<i32>} : memref<400x128xf32, #tpu.memory_space<vmem>>, vector<400x128xf32>,
    %swap3A_18 = arith.constant 0 : index
    %swap3A_19 = arith.constant 0 : index
    %swap3A_20 = vector.load %arg6[%swap3A_18, %swap3A_19] : memref<400x1xf32, #tpu.memory_space<vmem>>, vector<400x1xf32>
    tpu.vector_store %arg6[%swap3A_18, %swap3A_19], %rsqrt3A {strides = array<i32>} : memref<400x1xf32, #tpu.memory_space<vmem>>, vector<400x1xf32>,
    return
  }
  func.func @transform_0(%arg0: i32) -> (i32, i32) {
    %c0_i32 = arith.constant 0 : i32
    %c0_i32_0 = arith.constant 0 : i32
    return %arg0, %c0_i32 : i32, i32
  }
  func.func @transform_1(%arg0: i32) -> (i32, i32) {
    %c0_i32 = arith.constant 0 : i32
    %c0_i32_0 = arith.constant 0 : i32
    %c0_i32_1 = arith.constant 0 : i32
    return %c0_i32, %c0_i32_0 : i32, i32
  }
  func.func @transform_2(%arg0: i32) -> (i32, i32) {
    %c0_i32 = arith.constant 0 : i32
    %c0_i32_0 = arith.constant 0 : i32
    return %arg0, %c0_i32 : i32, i32
  }
  func.func @transform_3(%arg0: i32) -> (i32, i32) {
    %c0_i32 = arith.constant 0 : i32
    %c0_i32_0 = arith.constant 0 : i32
    return %arg0, %c0_i32 : i32, i32
  }
  func.func @transform_4(%arg0: i32) -> (i32, i32) {
    %c0_i32 = arith.constant 0 : i32
    %c0_i32_0 = arith.constant 0 : i32
    return %arg0, %c0_i32 : i32, i32
  }
  func.func @transform_5(%arg0: i32) -> (i32, i32) {
    %c0_i32 = arith.constant 0 : i32
    %c0_i32_0 = arith.constant 0 : i32
    return %arg0, %c0_i32 : i32, i32
  }
}

module attributes {stable_mosaic.version = 14 : i64} {
  func.func @_lin2_body(%arg0: i32, %arg1: memref<2x400x128xf32, #tpu.memory_space<vmem>>, %arg2: memref<400x128xf32, #tpu.memory_space<vmem>>, %arg3: memref<400x1xf32, #tpu.memory_space<vmem>>, %arg4: memref<1x128xf32, #tpu.memory_space<vmem>>, %arg5: memref<128x48xf32, #tpu.memory_space<vmem>>, %arg6: memref<400x48xf32, #tpu.memory_space<vmem>>) attributes {dimension_semantics = [#tpu.dimension_semantics<arbitrary>], iteration_bounds = array<i64: 25>, scalar_prefetch = 0 : i64, scratch_operands = 0 : i64, tpu.core_type = #tpu.core_type<tc>, window_params = [{transform_indices = @transform_0, window_bounds = array<i64: 2, 400, 128>}, {transform_indices = @transform_1, window_bounds = array<i64: 400, 128>}, {transform_indices = @transform_2, window_bounds = array<i64: 400, 1>}, {pipeline_mode = #tpu.pipeline_mode<synchronous>, transform_indices = @transform_3, window_bounds = array<i64: 1, 128>}, {pipeline_mode = #tpu.pipeline_mode<synchronous>, transform_indices = @transform_4, window_bounds = array<i64: 128, 48>}, {transform_indices = @transform_5, window_bounds = array<i64: 400, 48>}]} {
    %get3A = arith.constant 0 : index
    %get3A_0 = arith.constant 0 : index
    %get3A_1 = vector.load %arg3[%get3A, %get3A_0] : memref<400x1xf32, #tpu.memory_space<vmem>>, vector<400x1xf32>
    %get3A_2 = arith.constant 0 : index
    %get3A_3 = arith.constant 0 : index
    %get3A_4 = arith.constant 0 : index
    %get3A_5 = vector.load %arg1[%get3A_2, %get3A_3, %get3A_4] : memref<2x400x128xf32, #tpu.memory_space<vmem>>, vector<2x400x128xf32>
    %slice3A = vector.extract_strided_slice %get3A_5 {offsets = [0, 0, 0], sizes = [1, 400, 128], strides = [1, 1, 1]} : vector<2x400x128xf32> to vector<1x400x128xf32>
    %squeeze3A = vector.shape_cast %slice3A : vector<1x400x128xf32> to vector<400x128xf32>
    %slice3A_6 = vector.extract_strided_slice %get3A_5 {offsets = [1, 0, 0], sizes = [1, 400, 128], strides = [1, 1, 1]} : vector<2x400x128xf32> to vector<1x400x128xf32>
    %squeeze3A_7 = vector.shape_cast %slice3A_6 : vector<1x400x128xf32> to vector<400x128xf32>
    %add3A = arith.addf %squeeze3A, %squeeze3A_7 : vector<400x128xf32>
    %get3A_8 = arith.constant 0 : index
    %get3A_9 = arith.constant 0 : index
    %get3A_10 = vector.load %arg2[%get3A_8, %get3A_9] : memref<400x128xf32, #tpu.memory_space<vmem>>, vector<400x128xf32>
    %add3A_11 = arith.addf %add3A, %get3A_10 : vector<400x128xf32>
    %mul3A = vector.broadcast %get3A_1 : vector<400x1xf32> to vector<400x128xf32>
    %mul3A_12 = arith.mulf %add3A_11, %mul3A : vector<400x128xf32>
    %get3A_13 = arith.constant 0 : index
    %get3A_14 = arith.constant 0 : index
    %get3A_15 = vector.load %arg4[%get3A_13, %get3A_14] : memref<1x128xf32, #tpu.memory_space<vmem>>, vector<1x128xf32>
    %add3A_16 = vector.broadcast %get3A_15 : vector<1x128xf32> to vector<400x128xf32>
    %add3A_17 = arith.addf %mul3A_12, %add3A_16 : vector<400x128xf32>
    %max3A = arith.constant 0.000000e+00 : f32
    %max3A_18 = vector.broadcast %max3A : f32 to vector<400x128xf32>
    %max3A_19 = arith.maximumf %add3A_17, %max3A_18 : vector<400x128xf32>
    %get3A_20 = arith.constant 0 : index
    %get3A_21 = arith.constant 0 : index
    %get3A_22 = vector.load %arg5[%get3A_20, %get3A_21] : memref<128x48xf32, #tpu.memory_space<vmem>>, vector<128x48xf32>
    %dot_general3A = arith.constant dense<0.000000e+00> : vector<400x48xf32>
    %dot_general3A_23 = tpu.matmul %max3A_19, %get3A_22, %dot_general3A {dimension_numbers = #tpu.dot_dimension_numbers<[1], [0], [0], [1], [0, 0, 1, 1], [], []>, transpose_lhs_hint = false} : vector<400x128xf32>, vector<128x48xf32>, vector<400x48xf32> -> vector<400x48xf32>
    %mul3A_24 = vector.broadcast %get3A_1 : vector<400x1xf32> to vector<400x48xf32>
    %mul3A_25 = arith.mulf %dot_general3A_23, %mul3A_24 : vector<400x48xf32>
    %swap3A = arith.constant 0 : index
    %swap3A_26 = arith.constant 0 : index
    %swap3A_27 = vector.load %arg6[%swap3A, %swap3A_26] : memref<400x48xf32, #tpu.memory_space<vmem>>, vector<400x48xf32>
    tpu.vector_store %arg6[%swap3A, %swap3A_26], %mul3A_25 {strides = array<i32>} : memref<400x48xf32, #tpu.memory_space<vmem>>, vector<400x48xf32>,
    return
  }
  func.func @transform_0(%arg0: i32) -> (i32, i32, i32) {
    %c0_i32 = arith.constant 0 : i32
    %c0_i32_0 = arith.constant 0 : i32
    %c0_i32_1 = arith.constant 0 : i32
    return %c0_i32, %arg0, %c0_i32_0 : i32, i32, i32
  }
  func.func @transform_1(%arg0: i32) -> (i32, i32) {
    %c0_i32 = arith.constant 0 : i32
    %c0_i32_0 = arith.constant 0 : i32
    return %arg0, %c0_i32 : i32, i32
  }
  func.func @transform_2(%arg0: i32) -> (i32, i32) {
    %c0_i32 = arith.constant 0 : i32
    %c0_i32_0 = arith.constant 0 : i32
    return %arg0, %c0_i32 : i32, i32
  }
  func.func @transform_3(%arg0: i32) -> (i32, i32) {
    %c0_i32 = arith.constant 0 : i32
    %c0_i32_0 = arith.constant 0 : i32
    %c0_i32_1 = arith.constant 0 : i32
    return %c0_i32, %c0_i32_0 : i32, i32
  }
  func.func @transform_4(%arg0: i32) -> (i32, i32) {
    %c0_i32 = arith.constant 0 : i32
    %c0_i32_0 = arith.constant 0 : i32
    %c0_i32_1 = arith.constant 0 : i32
    return %c0_i32, %c0_i32_0 : i32, i32
  }
  func.func @transform_5(%arg0: i32) -> (i32, i32) {
    %c0_i32 = arith.constant 0 : i32
    %c0_i32_0 = arith.constant 0 : i32
    return %arg0, %c0_i32 : i32, i32
  }
}

module attributes {stable_mosaic.version = 14 : i64} {
  func.func @_out_body(%arg0: i32, %arg1: memref<2x400x48xf32, #tpu.memory_space<vmem>>, %arg2: memref<400x48xf32, #tpu.memory_space<vmem>>, %arg3: memref<400x1xf32, #tpu.memory_space<vmem>>, %arg4: memref<1x48xf32, #tpu.memory_space<vmem>>, %arg5: memref<400x48xf32, #tpu.memory_space<vmem>>) attributes {dimension_semantics = [#tpu.dimension_semantics<arbitrary>], iteration_bounds = array<i64: 25>, scalar_prefetch = 0 : i64, scratch_operands = 0 : i64, tpu.core_type = #tpu.core_type<tc>, window_params = [{transform_indices = @transform_0, window_bounds = array<i64: 2, 400, 48>}, {transform_indices = @transform_1, window_bounds = array<i64: 400, 48>}, {transform_indices = @transform_2, window_bounds = array<i64: 400, 1>}, {pipeline_mode = #tpu.pipeline_mode<synchronous>, transform_indices = @transform_3, window_bounds = array<i64: 1, 48>}, {transform_indices = @transform_4, window_bounds = array<i64: 400, 48>}]} {
    %get3A = arith.constant 0 : index
    %get3A_0 = arith.constant 0 : index
    %get3A_1 = arith.constant 0 : index
    %get3A_2 = vector.load %arg1[%get3A, %get3A_0, %get3A_1] : memref<2x400x48xf32, #tpu.memory_space<vmem>>, vector<2x400x48xf32>
    %slice3A = vector.extract_strided_slice %get3A_2 {offsets = [0, 0, 0], sizes = [1, 400, 48], strides = [1, 1, 1]} : vector<2x400x48xf32> to vector<1x400x48xf32>
    %squeeze3A = vector.shape_cast %slice3A : vector<1x400x48xf32> to vector<400x48xf32>
    %slice3A_3 = vector.extract_strided_slice %get3A_2 {offsets = [1, 0, 0], sizes = [1, 400, 48], strides = [1, 1, 1]} : vector<2x400x48xf32> to vector<1x400x48xf32>
    %squeeze3A_4 = vector.shape_cast %slice3A_3 : vector<1x400x48xf32> to vector<400x48xf32>
    %add3A = arith.addf %squeeze3A, %squeeze3A_4 : vector<400x48xf32>
    %get3A_5 = arith.constant 0 : index
    %get3A_6 = arith.constant 0 : index
    %get3A_7 = vector.load %arg2[%get3A_5, %get3A_6] : memref<400x48xf32, #tpu.memory_space<vmem>>, vector<400x48xf32>
    %add3A_8 = arith.addf %add3A, %get3A_7 : vector<400x48xf32>
    %get3A_9 = arith.constant 0 : index
    %get3A_10 = arith.constant 0 : index
    %get3A_11 = vector.load %arg3[%get3A_9, %get3A_10] : memref<400x1xf32, #tpu.memory_space<vmem>>, vector<400x1xf32>
    %mul3A = vector.broadcast %get3A_11 : vector<400x1xf32> to vector<400x48xf32>
    %mul3A_12 = arith.mulf %add3A_8, %mul3A : vector<400x48xf32>
    %get3A_13 = arith.constant 0 : index
    %get3A_14 = arith.constant 0 : index
    %get3A_15 = vector.load %arg4[%get3A_13, %get3A_14] : memref<1x48xf32, #tpu.memory_space<vmem>>, vector<1x48xf32>
    %add3A_16 = vector.broadcast %get3A_15 : vector<1x48xf32> to vector<400x48xf32>
    %add3A_17 = arith.addf %mul3A_12, %add3A_16 : vector<400x48xf32>
    %reduce_max3A = arith.constant dense<0xFF800000> : vector<400xf32>
    %reduce_max3A_18 = vector.multi_reduction <maximumf>, %add3A_17, %reduce_max3A [1] : vector<400x48xf32> to vector<400xf32>
    %broadcast_in_dim3A = vector.shape_cast %reduce_max3A_18 : vector<400xf32> to vector<400x1xf32>
    %sub3A = vector.broadcast %broadcast_in_dim3A : vector<400x1xf32> to vector<400x48xf32>
    %sub3A_19 = arith.subf %add3A_17, %sub3A : vector<400x48xf32>
    %exp3A = math.exp %sub3A_19 : vector<400x48xf32>
    %reduce_sum3A = arith.constant dense<0.000000e+00> : vector<400xf32>
    %reduce_sum3A_20 = vector.multi_reduction <add>, %exp3A, %reduce_sum3A [1] : vector<400x48xf32> to vector<400xf32>
    %broadcast_in_dim3A_21 = vector.shape_cast %reduce_sum3A_20 : vector<400xf32> to vector<400x1xf32>
    %log3A = math.log %broadcast_in_dim3A_21 : vector<400x1xf32>
    %add3A_22 = arith.addf %log3A, %broadcast_in_dim3A : vector<400x1xf32>
    %sub3A_23 = vector.broadcast %add3A_22 : vector<400x1xf32> to vector<400x48xf32>
    %sub3A_24 = arith.subf %add3A_17, %sub3A_23 : vector<400x48xf32>
    %swap3A = arith.constant 0 : index
    %swap3A_25 = arith.constant 0 : index
    %swap3A_26 = vector.load %arg5[%swap3A, %swap3A_25] : memref<400x48xf32, #tpu.memory_space<vmem>>, vector<400x48xf32>
    tpu.vector_store %arg5[%swap3A, %swap3A_25], %sub3A_24 {strides = array<i32>} : memref<400x48xf32, #tpu.memory_space<vmem>>, vector<400x48xf32>,
    return
  }
  func.func @transform_0(%arg0: i32) -> (i32, i32, i32) {
    %c0_i32 = arith.constant 0 : i32
    %c0_i32_0 = arith.constant 0 : i32
    %c0_i32_1 = arith.constant 0 : i32
    return %c0_i32, %arg0, %c0_i32_0 : i32, i32, i32
  }
  func.func @transform_1(%arg0: i32) -> (i32, i32) {
    %c0_i32 = arith.constant 0 : i32
    %c0_i32_0 = arith.constant 0 : i32
    return %arg0, %c0_i32 : i32, i32
  }
  func.func @transform_2(%arg0: i32) -> (i32, i32) {
    %c0_i32 = arith.constant 0 : i32
    %c0_i32_0 = arith.constant 0 : i32
    return %arg0, %c0_i32 : i32, i32
  }
  func.func @transform_3(%arg0: i32) -> (i32, i32) {
    %c0_i32 = arith.constant 0 : i32
    %c0_i32_0 = arith.constant 0 : i32
    %c0_i32_1 = arith.constant 0 : i32
    return %c0_i32, %c0_i32_0 : i32, i32
  }
  func.func @transform_4(%arg0: i32) -> (i32, i32) {
    %c0_i32 = arith.constant 0 : i32
    %c0_i32_0 = arith.constant 0 : i32
    return %arg0, %c0_i32 : i32, i32
  }
}

</mosaic_0001>

<sc_bundles>
// kernel: kernel.11.cloned.1.call-start
scs
__scs_entry_jumppad:
0x0: {  	(pc) =	sbr.rel $0x88, $3  }
0x1: {  	(tag) =	ssettag $0x0;
	lr =	simm.s32 $0x1  }
0x2: {  	[smem:$0x3F9B] =	sst lr;
	_ =	strace $0xD0000000  }
0x3: {  	_ = 	snop  }
0x4: {  	_ = 	snop  }
0x5: {  	_ = 	snop  }
0x6: {  	_ = 	snop  }
0x7: {  	_ = 	snop  }
__scs_overlays_trampoline_lowered:
0x8: {  	[smem:$0x3FAA] =	sst s0  }
0x9: {  	[smem:$0x3FAB] =	sst s1  }
0xa: {  	[smem:$0x3FAC] =	sst s2  }
0xb: {  	[smem:$0x3FAD] =	sst s3  }
0xc: {  	[smem:$0x3FAE] =	sst s4  }
0xd: {  	[smem:$0x3FAF] =	sst s5  }
0xe: {  	[smem:$0x3FB0] =	sst s6  }
0xf: {  	[smem:$0x3FB1] =	sst s7  }
0x10: {  	[smem:$0x3FB2] =	sst s8  }
0x11: {  	[smem:$0x3FB3] =	sst s9;
	s0 =	simm.s32 @!p0 $0x0  }
0x12: {  	s1 =	sld [smem:$0x3F99];
	s0 =	simm.s32 @p0 $0x1  }
0x13: {  	[smem:$0x3FB4] =	sst s0;
	s0 =	simm.s32 @!p1 $0x0  }
0x14: {  	s2 =	sld [smem:$0x3F98];
	s0 =	simm.s32 @p1 $0x1  }
0x15: {  	[smem:$0x3FB5] =	sst s0;
	s0 =	simm.s32 @!p2 $0x0  }
0x16: {  	s3 =	sld [smem:$0x3FDB];
	s0 =	simm.s32 @p2 $0x1  }
0x17: {  	s4 =	simm.s32 $0x1BF5;
	[smem:$0x3FB7] =	sst s0  }
0x18: {  	s0 =	sld [smem:$0x3F9A];
	_ =	swait.ge [sflag:s4], $0x0  }
0x19: {  	s7 =	sld [smem:$0x3F9B]  }
0x1a: {  	s8 =	sadd.s32 $0xFFFFE003, lr  }
0x1b: {  	s9 =	sadd.s32 $0xFFFFFEF7, lr;
	s5 =	simm.s32 $0xFFFFFFFF;
	p2 =	slt.u32 s8, $0xFFFFF086  }
0x1c: {  	p1 =	slt.u32 s9, $0xF7A;
	s5 =	simm.s32 @!p2 $0x0  }
0x1d: {  	s5 =	simm.s32 @p1 $0x1;
	p0 =	seq.s32 s7, s2  }
0x1e: {  	s7 =	smul.u32 @!p0 $0xF7A, s2;
	p2 =	seq.s32 @!p0 s5, $0x0  }
0x1f: {  	s9 =	smul.u32 $0xF7A, s1;
	s8 =	simm.s32 @!p0 $0x1BF5;
	p2 =	por !p2, p0  }
0x20: {  	[sflag:s8] =	ssyncset.s32 @!p0 $0xFFFFF086;
	s6 =	sadd.s32 @!p0 s3, s7;
	s7 =	simm.s32 @!p0 $0x108  }
0x21: {  	s3 =	sadd.s32 s3, s9;
	s6 =	sadd.s32 @!p0 $0x88, s6;
	s7 =	simm.s32 @p2 $0x1082  }
0x22: {  	[simem:s7], [sflag:s8] =	dma.local @!p0 [hbm:s6], $0xF7A  }
0x23: {  	s9 =	sor.u32 $0xD0000000, s2;
	s6 =	simm.s32 $0x108;
	_ =	swait.ge @!p0 [sflag:s8], $0x0  }
0x24: {  	s3 =	sadd.s32 $0x88, s3;
	s6 =	simm.s32 @!p1 $0x1082;
	[sflag:s4] =	ssyncset.s32 $0xFFFFF086  }
0x25: {  	[simem:s6], [sflag:s4] =	dma.local [hbm:s3], $0xF7A  }
0x26: {  	[smem:$0x3F9B] =	sst s1;
	(tag) =	ssettag s2;
	_ =	strace s9  }
0x27: {  	s1 =	sld [smem:$0x3FAB]  }
0x28: {  	s2 =	sld [smem:$0x3FAC]  }
0x29: {  	s4 =	sld [smem:$0x3FAE]  }
0x2a: {  	p0 =	seq.s32 s5, $0x0;
	s5 =	sld [smem:$0x3FAF]  }
0x2b: {  	s6 =	sld [smem:$0x3FB0]  }
0x2c: {  	s7 =	sld [smem:$0x3FB1]  }
0x2d: {  	s3 =	simm.s32 $0x108;
	s8 =	sld [smem:$0x3FB2]  }
0x2e: {  	s3 =	simm.s32 @!p0 $0x1082;
	s9 =	sld [smem:$0x3FB3]  }
0x2f: {  	lr =	sadd.s32 s0, s3;
	s0 =	sld [smem:$0x3FAA]  }
0x30: {  	s3 =	sld [smem:$0x3FAD]  }
0x31: {  	[smem:$0x3FB6] =	sst s10  }
0x32: {  	s10 =	sld [smem:$0x3FB4];
	_ =	sdelay $0x3  }
0x33: {  	p0 =	seq.s32 s10, $0x1;
	s10 =	sld [smem:$0x3FB6];
	_ =	sdelay $0x3  }
0x34: {  	[smem:$0x3FB6] =	sst s10  }
0x35: {  	s10 =	sld [smem:$0x3FB5];
	_ =	sdelay $0x3  }
0x36: {  	p1 =	seq.s32 s10, $0x1;
	s10 =	sld [smem:$0x3FB6];
	_ =	sdelay $0x3  }
0x37: {  	[smem:$0x3FB6] =	sst s10  }
0x38: {  	s10 =	sld [smem:$0x3FB7]  }
0x39: {  	_ = 	snop;
	(pc) =	sbr.ind lr, $3  }
0x3a: {  	_ = 	snop  }
0x3b: {  	_ = 	snop  }
0x3c: {  	p2 =	seq.s32 s10, $0x1;
	s10 =	sld [smem:$0x3FB6]  }
0x3d: {  	_ =	shalt  }
0x3e: {  	_ =	shalt  }
0x3f: {  	_ =	shalt  }
0x40: {  	_ =	shalt  }
0x41: {  	_ =	shalt  }
0x42: {  	_ =	shalt  }
0x43: {  	_ =	shalt  }
0x44: {  	_ =	shalt  }
0x45: {  	_ =	shalt  }
0x46: {  	_ =	shalt  }
0x47: {  	_ =	shalt  }
0x48: {  	_ =	shalt  }
0x49: {  	_ =	shalt  }
0x4a: {  	_ =	shalt  }
0x4b: {  	_ =	shalt  }
0x4c: {  	_ =	shalt  }
0x4d: {  	_ =	shalt  }
0x4e: {  	_ =	shalt  }
0x4f: {  	_ =	shalt  }
0x50: {  	_ =	shalt  }
0x51: {  	_ =	shalt  }
0x52: {  	_ =	shalt  }
0x53: {  	_ =	shalt  }
0x54: {  	_ =	shalt  }
0x55: {  	_ =	shalt  }
0x56: {  	_ =	shalt  }
0x57: {  	_ =	shalt  }
0x58: {  	_ =	shalt  }
0x59: {  	_ =	shalt  }
0x5a: {  	_ =	shalt  }
0x5b: {  	_ =	shalt  }
0x5c: {  	_ =	shalt  }
0x5d: {  	_ =	shalt  }
0x5e: {  	_ =	shalt  }
0x5f: {  	_ =	shalt  }
0x60: {  	_ =	shalt  }
0x61: {  	_ =	shalt  }
0x62: {  	_ =	shalt  }
0x63: {  	_ =	shalt  }
0x64: {  	_ =	shalt  }
0x65: {  	_ =	shalt  }
0x66: {  	_ =	shalt  }
0x67: {  	_ =	shalt  }
0x68: {  	_ =	shalt  }
0x69: {  	_ =	shalt  }
0x6a: {  	_ =	shalt  }
0x6b: {  	_ =	shalt  }
0x6c: {  	_ =	shalt  }
0x6d: {  	_ =	shalt  }
0x6e: {  	_ =	shalt  }
0x6f: {  	_ =	shalt  }
0x70: {  	_ =	shalt  }
0x71: {  	_ =	shalt  }
0x72: {  	_ =	shalt  }
0x73: {  	_ =	shalt  }
0x74: {  	_ =	shalt  }
0x75: {  	_ =	shalt  }
0x76: {  	_ =	shalt  }
0x77: {  	_ =	shalt  }
0x78: {  	_ =	shalt  }
0x79: {  	_ =	shalt  }
0x7a: {  	_ =	shalt  }
0x7b: {  	_ =	shalt  }
0x7c: {  	_ =	shalt  }
0x7d: {  	_ =	shalt  }
0x7e: {  	_ =	shalt  }
0x7f: {  	_ =	shalt  }
0x80: {  	_ =	shalt  }
0x81: {  	_ =	shalt  }
0x82: {  	_ =	shalt  }
0x83: {  	_ =	shalt  }
0x84: {  	_ =	shalt  }
0x85: {  	_ =	shalt  }
0x86: {  	_ =	shalt  }
0x87: {  	_ =	shalt  }
.Lfunc_end0:
.L_simem_size_0:
called_computation.1_lowered:
.L_overlay_start_0:
0x88: {  	s2 =	sld [smem:$0x3FD9]  }
0x89: {  	s3 =	sld [smem:$0x3FFE];
	_ =	sdelay $0x1  }
0x8a: {  	s1 =	srdreg.scid  }
0x8b: {  	s0 =	sand.u32 $0x1, s1  }
0x8c: {  	s16 =	sshll.u32 s0, $0xA;
	s2 =	sadd.s32 s3, s2  }
0x8d: {  	s2 =	sadd.s32 s2, s16  }
0x8e: {  	[smem:$0x3FC2] =	sst s2  }
0x8f: {  	_ = 	snop  }
0x90: {  	(tm) =	ssettm $0x1  }
0x91: {  	s17 =	sld [smem:$0x3FFB];
	_ =	sdelay $0x3  }
0x92: {  	_ =	strace s17  }
0x93: {  	s2 =	sld [smem:$0x3FFC];
	_ =	sdelay $0x3  }
0x94: {  	_ =	strace s2  }
0x95: {  	s2 =	sld [smem:$0x3FFD];
	_ =	sdelay $0x3  }
0x96: {  	_ =	strace s2  }
0x97: {  	_ =	strace $0x8FFFFFFF  }
0x98: {  	s18 =	sld [smem:$0x3FDB];
	_ =	sdelay $0x1  }
0x99: {  	s19 =	simm.s32 $_scs_section_size  }
0x9a: {  	s4 =	simm.s32 $_size__tile_overlayer_lowered;
	s5 =	simm.s32 $_tile_overlayer_lowered  }
0x9b: {  	s22 =	simm.s32 $0x1BFF;
	s21 =	sshll.u32 s5, $0x1;
	s2 =	sadd.s32 s19, s18  }
0x9c: {  	s6 =	simm.s32 $0x0;
	s20 =	sshll.u32 s4, $0x1;
	s4 =	sadd.s32 s21, s2  }
0x9d: {  	[timem:s6], [sflag:s22] =	dma.local [hbm:s4], s20  }
0x9e: {  	_ =	swait.ge [sflag:s22], s20  }
0x9f: {  	s3 =	ssub.s32 $0x0, s20;
	[sflag:s22] =	ssyncset.done $0x0  }
0xa0: {  	[sflag:s22] =	ssyncadd.s32 s3;
	_ =	sdelay $0x1  }
0xa1: {  	s23 =	simm.s32 $0x1B8B  }
0xa2: {  	_ =	swait.ge [sflag:s23], $0x1  }
0xa3: {  	[sflag:s23] =	ssyncset.done $0x0  }
0xa4: {  	s25 =	simm.s32 $0x1B8E;
	s24 =	sld [smem:$0x3FFE];
	[sflag:s23] =	ssyncadd.s32 $0xFFFFFFFF  }
0xa5: {  	s26 =	simm.s32 $execute0_lowered;
	[smem:$0x3FD2] =	sst s25  }
0xa6: {  	s4 =	sshll.u32 s26, $0x1;
	_ =	strace $0x80000049;
	[dreg:$0x1] =	wrdreg $0xFFFFFFFF  }
0xa7: {  	s28 =	simm.s32 $_size_execute0_lowered;
	s2 =	sadd.s32 s2, s4;
	[dreg:$0x0] =	wrdreg $0x0  }
0xa8: {  	s4 =	sshll.u32 s28, $0x1;
	[dreg:$0x2] =	wrdreg s2  }
0xa9: {  	[dreg:$0x3] =	wrdreg s4  }
0xaa: {  	[dreg:$0x4] =	wrdreg $0xC0  }
0xab: {  	_ =	task [dreg:s6], $0x5FFFF  }
0xac: {  	[dreg:$0x1] =	wrdreg $0xFFFFFFFF  }
0xad: {  	[dreg:$0x0] =	wrdreg $0x60  }
0xae: {  	[dreg:$0x2] =	wrdreg s24  }
0xaf: {  	[dreg:$0x3] =	wrdreg $0x90000  }
0xb0: {  	[dreg:$0x4] =	wrdreg $0x9  }
0xb1: {  	_ =	task.clear_ibuf [dreg:s6], $0x5FFFF;
	_ =	strace $0x90000049  }
0xb2: {  	s29 =	simm.s32 $0x9;
	_ =	strace $0x8000004B  }
0xb3: {  	_ =	swait.ge [sflag:s29], $0x1  }
0xb4: {  	[sflag:s29] =	ssyncadd.s32 $0xFFFFFFFF  }
0xb5: {  	_ =	strace $0x9000004B  }
0xb6: {  	_ =	sfence  }
0xb7: {  	s30 =	sld [smem:$0x0];
	_ =	sdelay $0x2  }
0xb8: {  	s31 =	sshll.u32 s1, $0xD;
	s1 =	sshrl.u32 s1, $0x2  }
0xb9: {  	s3 =	sand.u32 $0x4000, s31;
	s1 =	sadd.s32 s1, s30  }
0xba: {  	s0 =	sor.u32 s3, s0;
	s1 =	sshll.u32 s1, $0x11  }
0xbb: {  	s0 =	sor.u32 s1, s0  }
0xbc: {  	s0 =	sadd.s32 $0x8F2B, s0  }
0xbd: {  	[sflag:s0] =	ssyncadd.remote.s32 $0x1  }
0xbe: {  	_ =	sfence.sel $0xFFFF  }
0xbf: {  	[dreg:$0x0] =	wrdreg $0xFFFFFFFF;
	(pc) =	sbr.abs _section_cstart, $3  }
0xc0: {  	[dreg:$0x1] =	wrdreg $0xFFFFFFFF  }
0xc1: {  	_ =	task.clear_ibuf [dreg:s6], $0x2FFFF;
	_ =	strace $0x9FFFFFFF  }
0xc2: {  	(tm) =	ssettm $0x7FFFFFFF  }
0xc3: {  	_ =	shalt  }
tec
execute0_lowered:
.L_overlay_start_1:
0x0: {  	(tag) =	ssettag $0x1  }
0x1: {  	s0 =	rddreg [dreg:$0x0]  }
0x2: {  	s2 =	rddreg [dreg:$0x1];
	s3 =	simm.s32 $0x0  }
0x3: {  	s13 =	stileid.u32;
	s6 =	srdreg.scid;
	s14 =	simm.s32 $0x1000  }
0x4: {  	s16 =	simm.s32 $0x5;
	s17 =	simm.s32 $0x4;
	s18 =	simm.s32 $0x50  }
0x5: {  	s19 =	simm.s32 $0x2000;
	s20 =	simm.s32 $0x4000;
	s21 =	simm.s32 $0x1  }
0x6: {  	[smem:$0x7FF] =	sst s3;
	s1 =	smul.u32 $0x14000, s13;
	s4 =	sadd.s32 $0x44E00, s0  }
0x7: {  	s5 =	sadd.s32 $0x30E00, s0;
	s7 =	sand.u32 $0x1, s6;
	s10 =	sshll.u32 s13, $0x1  }
0x8: {  	s6 =	sadd.s32 $0x1CE00, s0;
	s24 =	smul.u32 $0x50000, s13;
	s31 =	sshll.u32 s13, $0x6  }
0x9: {  	_ =	strace $0x8000004A;
	s9 =	smul.u32 $0x140000, s7;
	s22 =	sor.u32 s7, s10  }
0xa: {  	s7 =	ssub.s32 $0x2, s7;
	s10 =	sor.u32 $0x1C05, s31;
	s8 =	sshrl.u32 s1, $0x3  }
0xb: {  	s12 =	smul.u32 $0x5000, s22;
	s23 =	sshrl.u32 s7, $0x1;
	s22 =	simm.s32 $0x6  }
0xc: {  	s11 =	sadd.s32 s8, s0;
	s1 =	sadd.s32 s1, s9;
	s25 =	ssub.s32 s7, s23  }
0xd: {  	s9 =	sshrl.u32 s24, $0x2;
	s23 =	simm.s32 $0x3;
	s24 =	simm.s32 $0x0  }
.Ltmp0:
0xe: {  	s1 =	sshrl.u32 s1, $0x3;
	s26 =	sshrl.u32 s12, $0x3;
	(pc) =	sbr.rel .LBB2_1-.Ltmp0, $4  }
0xf: {  	s15 =	sadd.s32 s9, s2;
	s30 =	sadd.s32 $0x6C000, s11;
	s11 =	sadd.s32 $0x1000, s12  }
0x10: {  	s13 =	smax.u32 s25, $0x1;
	s28 =	sadd.s32 s5, s26;
	[dreg:$0x5] =	wrdreg s30  }
0x11: {  	s0 =	sadd.s32 s1, s0;
	s29 =	sadd.s32 s6, s26;
	[dreg:$0x3] =	wrdreg s28  }
0x12: {  	s15 =	sshrl.u32 s15, $0x3;
	[dreg:$0x4] =	wrdreg s29;
	s12 =	sadd.s32 $0x94000, s0  }
.LBB2_10:
0x13: {  	s24 =	sadd.s32 $0x1, s24  }
0x14: {  	p0 =	sne.s32 s24, s13  }
.Ltmp1:
0x15: {  	[bflag:$0x0] =	sbarrier.arrive $0xFFFF;
	(pc) =	sbr.rel @!p0 .LBB2_11-.Ltmp1, $4  }
0x16: {  	[hbm:s12], [sflag:s10] =	dma.local [spmem:s15], $0x2800  }
0x17: {  	_ =	swait.ge [sflag:s16], $0x2800  }
0x18: {  	[sflag:s16] =	ssyncset.done $0x0  }
0x19: {  	[sflag:s16] =	ssyncadd.s32 $0xFFFFD800  }
.LBB2_1:
0x1a: {  	s0 =	rddreg [dreg:$0x3]  }
0x1b: {  	s30 =	rddreg [dreg:$0x4]  }
0x1c: {  	[tilespmem:s3], [sflag:$0x3] =	stream.linear.gather [hbm4b:s0+s3], $0xC80, $0x38;
	[tilespmem:$0x1D000] =	vst v63  }
0x1d: {  	s31 =	rddreg [dreg:$0x5]  }
0x1e: {  	[tilespmem:s14], [sflag:$0x3] =	stream.linear.gather [hbm4b:s30+s3], $0xC80, $0x38;
	[tilespmem:$0x1D000] =	vst v63  }
0x1f: {  	[spmem:s15], [sflag:s10] =	dma.local [hbm:s31], $0x2800  }
.Ltmp2:
0x20: {  	_ =	swait.ge [sflag:s16], $0x2800;
	(pc) =	sbr.rel .LBB2_2-.Ltmp2, $4  }
0x21: {  	[sflag:s16] =	ssyncset.done $0x0  }
0x22: {  	[sflag:s16] =	ssyncadd.s32 $0xFFFFD800  }
0x23: {  	[bflag:$0x0] =	sbarrier.arrive $0xFFFF  }
0x24: {  	s25 =	simm.s32 $0x0  }
.LBB2_5:
0x25: {  	p0 =	seq.s32 s1, $0x0;
	s7 =	sand.u32 $0x1, s30;
	[sflag:s0] =	ssyncset.done $0x0  }
0x26: {  	s8 =	simm.s32 @!p0 $0x50;
	s9 =	simm.s32 @!p0 $0x4000;
	[sflag:s0] =	ssyncadd.s32 $0xFFFFD800  }
0x27: {  	[tilespmem:s9], [sflag:$0x1] =	stream.indirect.gather @!p0 [hbm4b:s4+s8], $0x80, s29, s8, $0xb8;
	[tilespmem:$0x1D000] =	vst v63  }
0x28: {  	p1 =	seq.s32 s7, $0x0;
	p0 =	sne.s32 s1, $0x0  }
0x29: {  	s0 =	simm.s32 @!p1 $0x50;
	s1 =	simm.s32 @!p1 $0x6800;
	s7 =	simm.s32 @p0 $0x2  }
0x2a: {  	[tilespmem:s1], [sflag:$0x2] =	stream.indirect.gather @!p1 [hbm4b:s4+s0], $0x80, s29, s0, $0xb8;
	[tilespmem:$0x1D000] =	vst v63  }
0x2b: {  	_ =	swait.ge @p0 [sflag:s7], $0x2800  }
0x2c: {  	s0 =	simm.s32 @p0 $0x50;
	[sflag:s7] =	ssyncset.done @p0 $0x0  }
0x2d: {  	s1 =	simm.s32 @p0 $0x6800;
	[sflag:s7] =	ssyncadd.s32 @p0 $0xFFFFD800;
	s7 =	simm.s32 @!p0 $0x1  }
0x2e: {  	[spmem:s2] =	stream.indirect.scatter.add.f32 @p0 [tilespmem:s1], [sflag:$0x5], $0x80, s28, s0, $0xb8;
	[tilespmem:$0x1D000] =	vst v63  }
0x2f: {  	_ =	swait.ge @!p0 [sflag:s7], $0x2800  }
0x30: {  	s8 =	simm.s32 @!p0 $0x4000;
	s0 =	simm.s32 @!p0 $0x6;
	[sflag:s7] =	ssyncset.done @!p0 $0x0  }
0x31: {  	s1 =	simm.s32 @!p0 $0x50;
	s0 =	simm.s32 @p0 $0x5;
	[sflag:s7] =	ssyncadd.s32 @!p0 $0xFFFFD800  }
0x32: {  	[spmem:s2] =	stream.indirect.scatter.add.f32 @!p0 [tilespmem:s8], [sflag:$0x6], $0x80, s28, s1, $0xb8;
	[tilespmem:$0x1D000] =	vst v63  }
0x33: {  	_ =	swait.ge [sflag:s0], $0x2800  }
0x34: {  	[sflag:s0] =	ssyncset.done $0x0  }
0x35: {  	[sflag:s0] =	ssyncadd.s32 $0xFFFFD800  }
.LBB2_9:
0x36: {  	_ =	swait.ge [sflag:s21], $0x2800;
	s25 =	sadd.s32 $0x1, s25  }
0x37: {  	[sflag:s21] =	ssyncset.done $0x0;
	p0 =	sne.s32 s25, $0x5  }
.Ltmp3:
0x38: {  	s0 =	sadd.s32 $0xC00, s26;
	[sflag:s21] =	ssyncadd.s32 $0xFFFFD800;
	(pc) =	sbr.rel @!p0 .LBB2_10-.Ltmp3, $4  }
0x39: {  	[spmem:s2] =	stream.indirect.scatter.add.f32 [tilespmem:s20], [sflag:$0x6], $0x80, s0, s18, $0xb8;
	[tilespmem:$0x1D000] =	vst v63  }
0x3a: {  	_ =	swait.ge [sflag:s22], $0x2800  }
0x3b: {  	[sflag:s22] =	ssyncset.done $0x0  }
0x3c: {  	[sflag:s22] =	ssyncadd.s32 $0xFFFFD800  }
.LBB2_2:
0x3d: {  	s0 =	sand.u32 $0x1, s25  }
0x3e: {  	p0 =	seq.s32 s0, $0x1  }
.Ltmp4:
0x3f: {  	_ = 	snop;
	(pc) =	sbr.rel @!p0 .LBB2_3-.Ltmp4, $1  }
0x40: {  	_ =	sdelay $0x3  }
0x41: {  	_ =	swait.ge [sflag:s17], $0xC80  }
0x42: {  	[sflag:s17] =	ssyncset.done $0x0  }
0x43: {  	s0 =	sshll.u32 s25, $0xC;
	[sflag:s17] =	ssyncadd.s32 $0xFFFFF380  }
0x44: {  	s0 =	sadd.s32 s0, s11;
	_ =	swait.ge [sflag:s17], $0xC80  }
0x45: {  	s0 =	sshrl.u32 s0, $0x3;
	[sflag:s17] =	ssyncset.done $0x0  }
0x46: {  	s1 =	sadd.s32 s5, s0;
	[sflag:s17] =	ssyncadd.s32 $0xFFFFF380  }
0x47: {  	[tilespmem:s3], [sflag:$0x3] =	stream.linear.gather [hbm4b:s1+s3], $0xC80, $0x38;
	[tilespmem:$0x1D000] =	vst v63  }
0x48: {  	s7 =	simm.s32 $0x0;
	s0 =	sadd.s32 s6, s0  }
0x49: {  	[tilespmem:s14], [sflag:$0x3] =	stream.linear.gather [hbm4b:s0+s3], $0xC80, $0x38;
	[tilespmem:$0x1D000] =	vst v63  }
0x4a: {  	s8 =	simm.s32 $0x1;
	s0 =	sand.u32 $0x1, s7  }
0x4b: {  	s1 =	sand.u32 $0x1, s8;
	p0 =	seq.s32 s0, $0x0  }
0x4c: {  	[tilespmem:s20], [sflag:$0x1] =	stream.indirect.gather [hbm4b:s4+s18], $0x80, s19, s18, $0xb8;
	[tilespmem:$0x1D000] =	vst v63  }
0x4d: {  	s7 =	simm.s32 $0x2080;
	s8 =	simm.s32 @!p0 $0x50;
	s9 =	simm.s32 @!p0 $0x4000  }
0x4e: {  	[tilespmem:s9], [sflag:$0x1] =	stream.indirect.gather @!p0 [hbm4b:s4+s8], $0x80, s7, s8, $0xb8;
	[tilespmem:$0x1D000] =	vst v63  }
0x4f: {  	p1 =	seq.s32 s1, $0x0;
	p0 =	sne.s32 s0, $0x0  }
0x50: {  	s1 =	simm.s32 @!p1 $0x6800;
	s0 =	simm.s32 @!p1 $0x50;
	s8 =	simm.s32 @p0 $0x2  }
0x51: {  	[tilespmem:s1], [sflag:$0x2] =	stream.indirect.gather @!p1 [hbm4b:s4+s0], $0x80, s7, s0, $0xb8;
	[tilespmem:$0x1D000] =	vst v63  }
0x52: {  	s26 =	simm.s32 $0x3000;
	s30 =	simm.s32 $0x2;
	_ =	swait.ge @p0 [sflag:s8], $0x2800  }
0x53: {  	s31 =	simm.s32 $0x3;
	s0 =	simm.s32 @p0 $0x50;
	[sflag:s8] =	ssyncset.done @p0 $0x0  }
0x54: {  	s1 =	simm.s32 @p0 $0x6800;
	s7 =	simm.s32 @!p0 $0x1;
	[sflag:s8] =	ssyncadd.s32 @p0 $0xFFFFD800  }
0x55: {  	[spmem:s2] =	stream.indirect.scatter.add.f32 @p0 [tilespmem:s1], [sflag:$0x5], $0x80, s26, s0, $0xb8;
	[tilespmem:$0x1D000] =	vst v63  }
0x56: {  	s29 =	simm.s32 $0x2100;
	s9 =	simm.s32 $0x1;
	_ =	swait.ge @!p0 [sflag:s7], $0x2800  }
0x57: {  	s8 =	simm.s32 @!p0 $0x4000;
	s0 =	simm.s32 @!p0 $0x6;
	[sflag:s7] =	ssyncset.done @!p0 $0x0  }
0x58: {  	s1 =	simm.s32 @!p0 $0x50;
	s0 =	simm.s32 @p0 $0x5;
	[sflag:s7] =	ssyncadd.s32 @!p0 $0xFFFFD800  }
0x59: {  	[spmem:s2] =	stream.indirect.scatter.add.f32 @!p0 [tilespmem:s8], [sflag:$0x6], $0x80, s26, s1, $0xb8;
	[tilespmem:$0x1D000] =	vst v63  }
0x5a: {  	s28 =	simm.s32 $0x3080;
	s1 =	sand.u32 $0x1, s9;
	_ =	swait.ge [sflag:s0], $0x2800  }
.LBB2_7:
0x5b: {  	p0 =	seq.s32 s1, $0x0  }
0x5c: {  	s7 =	sand.u32 $0x1, s30;
	[sflag:s0] =	ssyncset.done $0x0;
	s30 =	smov.u32 s31  }
0x5d: {  	s8 =	simm.s32 @!p0 $0x50;
	s9 =	simm.s32 @!p0 $0x4000;
	[sflag:s0] =	ssyncadd.s32 $0xFFFFD800  }
0x5e: {  	[tilespmem:s9], [sflag:$0x1] =	stream.indirect.gather @!p0 [hbm4b:s4+s8], $0x80, s29, s8, $0xb8;
	[tilespmem:$0x1D000] =	vst v63  }
0x5f: {  	s31 =	sadd.s32 $0x1, s31;
	p1 =	seq.s32 s7, $0x0;
	p0 =	sne.s32 s1, $0x0  }
0x60: {  	s0 =	simm.s32 @!p1 $0x50;
	s1 =	simm.s32 @!p1 $0x6800;
	s7 =	simm.s32 @p0 $0x2  }
0x61: {  	[tilespmem:s1], [sflag:$0x2] =	stream.indirect.gather @!p1 [hbm4b:s4+s0], $0x80, s29, s0, $0xb8;
	[tilespmem:$0x1D000] =	vst v63  }
0x62: {  	p1 =	sne.s32 s31, $0x19;
	_ =	swait.ge @p0 [sflag:s7], $0x2800  }
0x63: {  	s0 =	simm.s32 @p0 $0x50;
	s1 =	simm.s32 @p0 $0x6800;
	[sflag:s7] =	ssyncset.done @p0 $0x0  }
0x64: {  	s29 =	sadd.s32 $0x80, s29;
	[sflag:s7] =	ssyncadd.s32 @p0 $0xFFFFD800;
	s7 =	simm.s32 @!p0 $0x1  }
0x65: {  	[spmem:s2] =	stream.indirect.scatter.add.f32 @p0 [tilespmem:s1], [sflag:$0x5], $0x80, s28, s0, $0xb8;
	[tilespmem:$0x1D000] =	vst v63  }
.Ltmp5:
0x66: {  	s0 =	simm.s32 @!p0 $0x6;
	_ =	swait.ge @!p0 [sflag:s7], $0x2800;
	(pc) =	sbr.rel @p1 .LBB2_7-.Ltmp5, $4  }
0x67: {  	s8 =	simm.s32 @!p0 $0x4000;
	s1 =	simm.s32 @!p0 $0x50;
	[sflag:s7] =	ssyncset.done @!p0 $0x0  }
0x68: {  	s9 =	sadd.s32 $0xFFFFFFFF, s30;
	s0 =	simm.s32 @p0 $0x5;
	[sflag:s7] =	ssyncadd.s32 @!p0 $0xFFFFD800  }
0x69: {  	[spmem:s2] =	stream.indirect.scatter.add.f32 @!p0 [tilespmem:s8], [sflag:$0x6], $0x80, s28, s1, $0xb8;
	[tilespmem:$0x1D000] =	vst v63  }
0x6a: {  	s1 =	sand.u32 $0x1, s9;
	s28 =	sadd.s32 $0x80, s28;
	_ =	swait.ge [sflag:s0], $0x2800  }
0x6b: {  	p0 =	seq.s32 s1, $0x0;
	s7 =	sand.u32 $0x1, s30;
	[sflag:s0] =	ssyncset.done $0x0  }
0x6c: {  	s8 =	simm.s32 @!p0 $0x50;
	s9 =	simm.s32 @!p0 $0x4000;
	[sflag:s0] =	ssyncadd.s32 $0xFFFFD800  }
0x6d: {  	[tilespmem:s9], [sflag:$0x1] =	stream.indirect.gather @!p0 [hbm4b:s4+s8], $0x80, s29, s8, $0xb8;
	[tilespmem:$0x1D000] =	vst v63  }
0x6e: {  	p1 =	seq.s32 s7, $0x0;
	p0 =	sne.s32 s1, $0x0  }
0x6f: {  	s0 =	simm.s32 @!p1 $0x50;
	s1 =	simm.s32 @!p1 $0x6800;
	s7 =	simm.s32 @p0 $0x2  }
0x70: {  	[tilespmem:s1], [sflag:$0x2] =	stream.indirect.gather @!p1 [hbm4b:s4+s0], $0x80, s29, s0, $0xb8;
	[tilespmem:$0x1D000] =	vst v63  }
0x71: {  	_ =	swait.ge @p0 [sflag:s7], $0x2800  }
0x72: {  	s0 =	simm.s32 @p0 $0x50;
	[sflag:s7] =	ssyncset.done @p0 $0x0  }
0x73: {  	s1 =	simm.s32 @p0 $0x6800;
	[sflag:s7] =	ssyncadd.s32 @p0 $0xFFFFD800;
	s7 =	simm.s32 @!p0 $0x1  }
0x74: {  	[spmem:s2] =	stream.indirect.scatter.add.f32 @p0 [tilespmem:s1], [sflag:$0x5], $0x80, s28, s0, $0xb8;
	[tilespmem:$0x1D000] =	vst v63  }
0x75: {  	s8 =	simm.s32 @!p0 $0x4000;
	_ =	swait.ge @!p0 [sflag:s7], $0x2800  }
0x76: {  	s0 =	simm.s32 @!p0 $0x6;
	s1 =	simm.s32 @!p0 $0x50;
	[sflag:s7] =	ssyncset.done @!p0 $0x0  }
.Ltmp6:
0x77: {  	s0 =	simm.s32 @p0 $0x5;
	[sflag:s7] =	ssyncadd.s32 @!p0 $0xFFFFD800;
	(pc) =	sbr.rel .LBB2_9-.Ltmp6, $4  }
0x78: {  	[spmem:s2] =	stream.indirect.scatter.add.f32 @!p0 [tilespmem:s8], [sflag:$0x6], $0x80, s28, s1, $0xb8;
	[tilespmem:$0x1D000] =	vst v63  }
0x79: {  	_ =	swait.ge [sflag:s0], $0x2800  }
0x7a: {  	[sflag:s0] =	ssyncset.done $0x0  }
0x7b: {  	[sflag:s0] =	ssyncadd.s32 $0xFFFFD800  }
.LBB2_3:
0x7c: {  	_ =	swait.ge [sflag:s23], $0xC80  }
0x7d: {  	p0 =	seq.s32 s25, $0x4;
	[sflag:s23] =	ssyncset.done $0x0  }
0x7e: {  	s0 =	sshll.u32 @!p0 s25, $0xC;
	[sflag:s23] =	ssyncadd.s32 $0xFFFFF380  }
0x7f: {  	s0 =	sadd.s32 @!p0 s0, s11;
	_ =	swait.ge [sflag:s23], $0xC80  }
0x80: {  	s26 =	simm.s32 @!p0 $0x0;
	s0 =	sshrl.u32 @!p0 s0, $0x3;
	[sflag:s23] =	ssyncset.done $0x0  }
0x81: {  	s28 =	simm.s32 @!p0 $0x2000;
	s1 =	sadd.s32 @!p0 s5, s0;
	[sflag:s23] =	ssyncadd.s32 $0xFFFFF380  }
0x82: {  	[tilespmem:s28], [sflag:$0x4] =	stream.linear.gather @!p0 [hbm4b:s1+s26], $0xC80, $0x38;
	[tilespmem:$0x1D000] =	vst v63  }
0x83: {  	s7 =	simm.s32 $0x0;
	s0 =	sadd.s32 @!p0 s6, s0;
	s1 =	simm.s32 @!p0 $0x3000  }
0x84: {  	[tilespmem:s1], [sflag:$0x4] =	stream.linear.gather @!p0 [hbm4b:s0+s26], $0xC80, $0x38;
	[tilespmem:$0x1D000] =	vst v63  }
0x85: {  	s0 =	sand.u32 $0x1, s7  }
0x86: {  	s8 =	simm.s32 $0x1;
	s26 =	simm.s32 $0x80;
	p0 =	seq.s32 s0, $0x0  }
0x87: {  	[tilespmem:s20], [sflag:$0x1] =	stream.indirect.gather [hbm4b:s4+s18], $0x80, s3, s18, $0xb8;
	[tilespmem:$0x1D000] =	vst v63  }
0x88: {  	s1 =	sand.u32 $0x1, s8;
	s28 =	simm.s32 @!p0 $0x50;
	s29 =	simm.s32 @!p0 $0x4000  }
0x89: {  	[tilespmem:s29], [sflag:$0x1] =	stream.indirect.gather @!p0 [hbm4b:s4+s28], $0x80, s26, s28, $0xb8;
	[tilespmem:$0x1D000] =	vst v63  }
0x8a: {  	p1 =	seq.s32 s1, $0x0;
	p0 =	sne.s32 s0, $0x0  }
0x8b: {  	s1 =	simm.s32 @!p1 $0x6800;
	s0 =	simm.s32 @!p1 $0x50;
	s28 =	simm.s32 @p0 $0x2  }
0x8c: {  	[tilespmem:s1], [sflag:$0x2] =	stream.indirect.gather @!p1 [hbm4b:s4+s0], $0x80, s26, s0, $0xb8;
	[tilespmem:$0x1D000] =	vst v63  }
0x8d: {  	s30 =	simm.s32 $0x2;
	s31 =	simm.s32 $0x3;
	_ =	swait.ge @p0 [sflag:s28], $0x2800  }
0x8e: {  	s26 =	simm.s32 $0x1000;
	s0 =	simm.s32 @p0 $0x50;
	[sflag:s28] =	ssyncset.done @p0 $0x0  }
0x8f: {  	s1 =	simm.s32 @p0 $0x6800;
	[sflag:s28] =	ssyncadd.s32 @p0 $0xFFFFD800;
	s28 =	simm.s32 @!p0 $0x1  }
0x90: {  	[spmem:s2] =	stream.indirect.scatter.add.f32 @p0 [tilespmem:s1], [sflag:$0x5], $0x80, s26, s0, $0xb8;
	[tilespmem:$0x1D000] =	vst v63  }
0x91: {  	s9 =	simm.s32 $0x1;
	s29 =	simm.s32 @!p0 $0x4000;
	_ =	swait.ge @!p0 [sflag:s28], $0x2800  }
0x92: {  	s0 =	simm.s32 @!p0 $0x6;
	s1 =	simm.s32 @!p0 $0x50;
	[sflag:s28] =	ssyncset.done @!p0 $0x0  }
0x93: {  	s0 =	simm.s32 @p0 $0x5;
	[sflag:s28] =	ssyncadd.s32 @!p0 $0xFFFFD800;
	s28 =	simm.s32 $0x1080  }
0x94: {  	[spmem:s2] =	stream.indirect.scatter.add.f32 @!p0 [tilespmem:s29], [sflag:$0x6], $0x80, s26, s1, $0xb8;
	[tilespmem:$0x1D000] =	vst v63  }
0x95: {  	s29 =	simm.s32 $0x100;
	s1 =	sand.u32 $0x1, s9;
	_ =	swait.ge [sflag:s0], $0x2800  }
.LBB2_4:
0x96: {  	p0 =	seq.s32 s1, $0x0  }
0x97: {  	s7 =	sand.u32 $0x1, s30;
	[sflag:s0] =	ssyncset.done $0x0;
	s30 =	smov.u32 s31  }
0x98: {  	s8 =	simm.s32 @!p0 $0x50;
	s9 =	simm.s32 @!p0 $0x4000;
	[sflag:s0] =	ssyncadd.s32 $0xFFFFD800  }
0x99: {  	[tilespmem:s9], [sflag:$0x1] =	stream.indirect.gather @!p0 [hbm4b:s4+s8], $0x80, s29, s8, $0xb8;
	[tilespmem:$0x1D000] =	vst v63  }
0x9a: {  	s31 =	sadd.s32 $0x1, s31;
	p1 =	seq.s32 s7, $0x0;
	p0 =	sne.s32 s1, $0x0  }
0x9b: {  	s0 =	simm.s32 @!p1 $0x50;
	s1 =	simm.s32 @!p1 $0x6800;
	s7 =	simm.s32 @p0 $0x2  }
0x9c: {  	[tilespmem:s1], [sflag:$0x2] =	stream.indirect.gather @!p1 [hbm4b:s4+s0], $0x80, s29, s0, $0xb8;
	[tilespmem:$0x1D000] =	vst v63  }
0x9d: {  	p1 =	seq.s32 s31, $0x19;
	_ =	swait.ge @p0 [sflag:s7], $0x2800  }
0x9e: {  	s0 =	simm.s32 @p0 $0x50;
	s1 =	simm.s32 @p0 $0x6800;
	[sflag:s7] =	ssyncset.done @p0 $0x0  }
0x9f: {  	s29 =	sadd.s32 $0x80, s29;
	[sflag:s7] =	ssyncadd.s32 @p0 $0xFFFFD800;
	s7 =	simm.s32 @!p0 $0x1  }
0xa0: {  	[spmem:s2] =	stream.indirect.scatter.add.f32 @p0 [tilespmem:s1], [sflag:$0x5], $0x80, s28, s0, $0xb8;
	[tilespmem:$0x1D000] =	vst v63  }
.Ltmp7:
0xa1: {  	s0 =	simm.s32 @!p0 $0x6;
	_ =	swait.ge @!p0 [sflag:s7], $0x2800;
	(pc) =	sbr.rel @!p1 .LBB2_4-.Ltmp7, $4  }
0xa2: {  	s8 =	simm.s32 @!p0 $0x4000;
	s1 =	simm.s32 @!p0 $0x50;
	[sflag:s7] =	ssyncset.done @!p0 $0x0  }
0xa3: {  	s9 =	sadd.s32 $0xFFFFFFFF, s30;
	s0 =	simm.s32 @p0 $0x5;
	[sflag:s7] =	ssyncadd.s32 @!p0 $0xFFFFD800  }
0xa4: {  	[spmem:s2] =	stream.indirect.scatter.add.f32 @!p0 [tilespmem:s8], [sflag:$0x6], $0x80, s28, s1, $0xb8;
	[tilespmem:$0x1D000] =	vst v63  }
0xa5: {  	s1 =	sand.u32 $0x1, s9;
	s28 =	sadd.s32 $0x80, s28;
	_ =	swait.ge [sflag:s0], $0x2800  }
.Ltmp8:
0xa6: {  	_ = 	snop;
	(pc) =	sbr.rel .LBB2_5-.Ltmp8, $1  }
0xa7: {  	_ =	sdelay $0x3  }
.LBB2_11:
0xa8: {  	_ =	sfence.sel $0x180000  }
0xa9: {  	[bflag:$0x0] =	sbarrier.arrive $0xFFFF  }
0xaa: {  	_ =	strace $0x9000004A  }
0xab: {  	s0 =	stileid.u32;
	[bflag:$0x2] =	sbarrier.arrive $0xFFFF  }
0xac: {  	p0 =	sne.s32 s0, $0x0;
	s0 =	rddreg [dreg:$0x2]  }
0xad: {  	s0 =	sadd.s32 @!p0 $0x100000, s0  }
0xae: {  	[sflag:s0] =	ssyncadd.tile.s32 @!p0 $0x1;
	_ =	shalt  }
.Lfunc_end2:
_tile_overlayer_lowered:
.L_overlay_start_2:
0xaf: {  	(tag) =	ssettag $0x2  }
0xb0: {  	s0 =	rddreg [dreg:$0x0];
	s2 =	stileid.u32  }
0xb1: {  	s1 =	rddreg [dreg:$0x1];
	p0 =	sne.s32 s2, $0x0  }
0xb2: {  	s3 =	rddreg [dreg:$0x2];
	[bflag:$0x3] =	sbarrier.arrive $0xFFFF;
	s2 =	simm.s32 @!p0 $0x1C05  }
0xb3: {  	[timem:s3], [sflag:s2] =	dma.local @!p0 [hbm:s0], s1  }
0xb4: {  	s0 =	simm.s32 @!p0 $0x5  }
0xb5: {  	_ =	swait.ge @!p0 [sflag:s0], s1  }
0xb6: {  	s1 =	ssub.s32 @!p0 $0x0, s1;
	[sflag:s0] =	ssyncset.done @!p0 $0x0  }
0xb7: {  	[sflag:s0] =	ssyncadd.s32 @!p0 s1  }
0xb8: {  	[bflag:$0x3] =	sbarrier.arrive $0xFFFF  }
0xb9: {  	_ =	shalt  }

// kernel: kernel.14.cloned.1.call-start
scs
__scs_entry_jumppad:
0x0: {  	(pc) =	sbr.rel $0x88, $3  }
0x1: {  	(tag) =	ssettag $0x0;
	lr =	simm.s32 $0x1  }
0x2: {  	[smem:$0x3F9B] =	sst lr;
	_ =	strace $0xD0000000  }
0x3: {  	_ = 	snop  }
0x4: {  	_ = 	snop  }
0x5: {  	_ = 	snop  }
0x6: {  	_ = 	snop  }
0x7: {  	_ = 	snop  }
__scs_overlays_trampoline_lowered:
0x8: {  	[smem:$0x3FAA] =	sst s0  }
0x9: {  	[smem:$0x3FAB] =	sst s1  }
0xa: {  	[smem:$0x3FAC] =	sst s2  }
0xb: {  	[smem:$0x3FAD] =	sst s3  }
0xc: {  	[smem:$0x3FAE] =	sst s4  }
0xd: {  	[smem:$0x3FAF] =	sst s5  }
0xe: {  	[smem:$0x3FB0] =	sst s6  }
0xf: {  	[smem:$0x3FB1] =	sst s7  }
0x10: {  	[smem:$0x3FB2] =	sst s8  }
0x11: {  	[smem:$0x3FB3] =	sst s9;
	s0 =	simm.s32 @!p0 $0x0  }
0x12: {  	s1 =	sld [smem:$0x3F99];
	s0 =	simm.s32 @p0 $0x1  }
0x13: {  	[smem:$0x3FB4] =	sst s0;
	s0 =	simm.s32 @!p1 $0x0  }
0x14: {  	s2 =	sld [smem:$0x3F98];
	s0 =	simm.s32 @p1 $0x1  }
0x15: {  	[smem:$0x3FB5] =	sst s0;
	s0 =	simm.s32 @!p2 $0x0  }
0x16: {  	s3 =	sld [smem:$0x3FDB];
	s0 =	simm.s32 @p2 $0x1  }
0x17: {  	s4 =	simm.s32 $0x1BF5;
	[smem:$0x3FB7] =	sst s0  }
0x18: {  	s0 =	sld [smem:$0x3F9A];
	_ =	swait.ge [sflag:s4], $0x0  }
0x19: {  	s7 =	sld [smem:$0x3F9B]  }
0x1a: {  	s8 =	sadd.s32 $0xFFFFE003, lr  }
0x1b: {  	s9 =	sadd.s32 $0xFFFFFEF7, lr;
	s5 =	simm.s32 $0xFFFFFFFF;
	p2 =	slt.u32 s8, $0xFFFFF086  }
0x1c: {  	p1 =	slt.u32 s9, $0xF7A;
	s5 =	simm.s32 @!p2 $0x0  }
0x1d: {  	s5 =	simm.s32 @p1 $0x1;
	p0 =	seq.s32 s7, s2  }
0x1e: {  	s7 =	smul.u32 @!p0 $0xF7A, s2;
	p2 =	seq.s32 @!p0 s5, $0x0  }
0x1f: {  	s9 =	smul.u32 $0xF7A, s1;
	s8 =	simm.s32 @!p0 $0x1BF5;
	p2 =	por !p2, p0  }
0x20: {  	[sflag:s8] =	ssyncset.s32 @!p0 $0xFFFFF086;
	s6 =	sadd.s32 @!p0 s3, s7;
	s7 =	simm.s32 @!p0 $0x108  }
0x21: {  	s3 =	sadd.s32 s3, s9;
	s6 =	sadd.s32 @!p0 $0x88, s6;
	s7 =	simm.s32 @p2 $0x1082  }
0x22: {  	[simem:s7], [sflag:s8] =	dma.local @!p0 [hbm:s6], $0xF7A  }
0x23: {  	s9 =	sor.u32 $0xD0000000, s2;
	s6 =	simm.s32 $0x108;
	_ =	swait.ge @!p0 [sflag:s8], $0x0  }
0x24: {  	s3 =	sadd.s32 $0x88, s3;
	s6 =	simm.s32 @!p1 $0x1082;
	[sflag:s4] =	ssyncset.s32 $0xFFFFF086  }
0x25: {  	[simem:s6], [sflag:s4] =	dma.local [hbm:s3], $0xF7A  }
0x26: {  	[smem:$0x3F9B] =	sst s1;
	(tag) =	ssettag s2;
	_ =	strace s9  }
0x27: {  	s1 =	sld [smem:$0x3FAB]  }
0x28: {  	s2 =	sld [smem:$0x3FAC]  }
0x29: {  	s4 =	sld [smem:$0x3FAE]  }
0x2a: {  	p0 =	seq.s32 s5, $0x0;
	s5 =	sld [smem:$0x3FAF]  }
0x2b: {  	s6 =	sld [smem:$0x3FB0]  }
0x2c: {  	s7 =	sld [smem:$0x3FB1]  }
0x2d: {  	s3 =	simm.s32 $0x108;
	s8 =	sld [smem:$0x3FB2]  }
0x2e: {  	s3 =	simm.s32 @!p0 $0x1082;
	s9 =	sld [smem:$0x3FB3]  }
0x2f: {  	lr =	sadd.s32 s0, s3;
	s0 =	sld [smem:$0x3FAA]  }
0x30: {  	s3 =	sld [smem:$0x3FAD]  }
0x31: {  	[smem:$0x3FB6] =	sst s10  }
0x32: {  	s10 =	sld [smem:$0x3FB4];
	_ =	sdelay $0x3  }
0x33: {  	p0 =	seq.s32 s10, $0x1;
	s10 =	sld [smem:$0x3FB6];
	_ =	sdelay $0x3  }
0x34: {  	[smem:$0x3FB6] =	sst s10  }
0x35: {  	s10 =	sld [smem:$0x3FB5];
	_ =	sdelay $0x3  }
0x36: {  	p1 =	seq.s32 s10, $0x1;
	s10 =	sld [smem:$0x3FB6];
	_ =	sdelay $0x3  }
0x37: {  	[smem:$0x3FB6] =	sst s10  }
0x38: {  	s10 =	sld [smem:$0x3FB7]  }
0x39: {  	_ = 	snop;
	(pc) =	sbr.ind lr, $3  }
0x3a: {  	_ = 	snop  }
0x3b: {  	_ = 	snop  }
0x3c: {  	p2 =	seq.s32 s10, $0x1;
	s10 =	sld [smem:$0x3FB6]  }
0x3d: {  	_ =	shalt  }
0x3e: {  	_ =	shalt  }
0x3f: {  	_ =	shalt  }
0x40: {  	_ =	shalt  }
0x41: {  	_ =	shalt  }
0x42: {  	_ =	shalt  }
0x43: {  	_ =	shalt  }
0x44: {  	_ =	shalt  }
0x45: {  	_ =	shalt  }
0x46: {  	_ =	shalt  }
0x47: {  	_ =	shalt  }
0x48: {  	_ =	shalt  }
0x49: {  	_ =	shalt  }
0x4a: {  	_ =	shalt  }
0x4b: {  	_ =	shalt  }
0x4c: {  	_ =	shalt  }
0x4d: {  	_ =	shalt  }
0x4e: {  	_ =	shalt  }
0x4f: {  	_ =	shalt  }
0x50: {  	_ =	shalt  }
0x51: {  	_ =	shalt  }
0x52: {  	_ =	shalt  }
0x53: {  	_ =	shalt  }
0x54: {  	_ =	shalt  }
0x55: {  	_ =	shalt  }
0x56: {  	_ =	shalt  }
0x57: {  	_ =	shalt  }
0x58: {  	_ =	shalt  }
0x59: {  	_ =	shalt  }
0x5a: {  	_ =	shalt  }
0x5b: {  	_ =	shalt  }
0x5c: {  	_ =	shalt  }
0x5d: {  	_ =	shalt  }
0x5e: {  	_ =	shalt  }
0x5f: {  	_ =	shalt  }
0x60: {  	_ =	shalt  }
0x61: {  	_ =	shalt  }
0x62: {  	_ =	shalt  }
0x63: {  	_ =	shalt  }
0x64: {  	_ =	shalt  }
0x65: {  	_ =	shalt  }
0x66: {  	_ =	shalt  }
0x67: {  	_ =	shalt  }
0x68: {  	_ =	shalt  }
0x69: {  	_ =	shalt  }
0x6a: {  	_ =	shalt  }
0x6b: {  	_ =	shalt  }
0x6c: {  	_ =	shalt  }
0x6d: {  	_ =	shalt  }
0x6e: {  	_ =	shalt  }
0x6f: {  	_ =	shalt  }
0x70: {  	_ =	shalt  }
0x71: {  	_ =	shalt  }
0x72: {  	_ =	shalt  }
0x73: {  	_ =	shalt  }
0x74: {  	_ =	shalt  }
0x75: {  	_ =	shalt  }
0x76: {  	_ =	shalt  }
0x77: {  	_ =	shalt  }
0x78: {  	_ =	shalt  }
0x79: {  	_ =	shalt  }
0x7a: {  	_ =	shalt  }
0x7b: {  	_ =	shalt  }
0x7c: {  	_ =	shalt  }
0x7d: {  	_ =	shalt  }
0x7e: {  	_ =	shalt  }
0x7f: {  	_ =	shalt  }
0x80: {  	_ =	shalt  }
0x81: {  	_ =	shalt  }
0x82: {  	_ =	shalt  }
0x83: {  	_ =	shalt  }
0x84: {  	_ =	shalt  }
0x85: {  	_ =	shalt  }
0x86: {  	_ =	shalt  }
0x87: {  	_ =	shalt  }
.Lfunc_end0:
.L_simem_size_0:
called_computation.2_lowered:
.L_overlay_start_0:
0x88: {  	s2 =	sld [smem:$0x3FD9]  }
0x89: {  	s3 =	sld [smem:$0x3FFE];
	_ =	sdelay $0x1  }
0x8a: {  	s1 =	srdreg.scid  }
0x8b: {  	s0 =	sand.u32 $0x1, s1  }
0x8c: {  	s17 =	sshll.u32 s0, $0xA;
	s2 =	sadd.s32 s3, s2  }
0x8d: {  	s2 =	sadd.s32 s2, s17  }
0x8e: {  	[smem:$0x3FC2] =	sst s2  }
0x8f: {  	_ = 	snop  }
0x90: {  	s2 =	sld [smem:$0x3FD0];
	(tm) =	ssettm $0x1  }
0x91: {  	s18 =	sld [smem:$0x3FFB];
	_ =	sdelay $0x3  }
0x92: {  	_ =	strace s18  }
0x93: {  	s3 =	sld [smem:$0x3FFC];
	_ =	sdelay $0x3  }
0x94: {  	_ =	strace s3  }
0x95: {  	s3 =	sld [smem:$0x3FFD];
	_ =	sdelay $0x3  }
0x96: {  	_ =	strace s3  }
0x97: {  	_ =	strace $0x8FFFFFFF  }
0x98: {  	s19 =	sld [smem:$0x3FDB];
	_ =	sdelay $0x1  }
0x99: {  	s4 =	simm.s32 $_scs_section_size  }
0x9a: {  	s5 =	simm.s32 $_size__tile_overlayer_lowered;
	s6 =	simm.s32 $_tile_overlayer_lowered  }
0x9b: {  	s22 =	simm.s32 $0x1BFF;
	s21 =	sshll.u32 s6, $0x1;
	s3 =	sadd.s32 s4, s19  }
0x9c: {  	s7 =	simm.s32 $0x0;
	s20 =	sshll.u32 s5, $0x1;
	s5 =	sadd.s32 s21, s3  }
0x9d: {  	[timem:s7], [sflag:s22] =	dma.local [hbm:s5], s20  }
0x9e: {  	_ =	swait.ge [sflag:s22], s20  }
0x9f: {  	s4 =	ssub.s32 $0x0, s20;
	[sflag:s22] =	ssyncset.done $0x0  }
0xa0: {  	[sflag:s22] =	ssyncadd.s32 s4;
	_ =	sdelay $0x1  }
0xa1: {  	s23 =	simm.s32 $0x1B8B  }
0xa2: {  	_ =	swait.ge [sflag:s23], $0x1  }
0xa3: {  	[sflag:s23] =	ssyncset.done $0x0  }
0xa4: {  	s25 =	simm.s32 $0x1B8E;
	s24 =	sld [smem:$0x3FFE];
	[sflag:s23] =	ssyncadd.s32 $0xFFFFFFFF  }
0xa5: {  	s26 =	simm.s32 $execute0_lowered;
	[smem:$0x3FD2] =	sst s25  }
0xa6: {  	s5 =	sshll.u32 s26, $0x1;
	_ =	strace $0x8000004C;
	[dreg:$0x1] =	wrdreg $0xFFFFFFFF  }
0xa7: {  	s28 =	simm.s32 $_size_execute0_lowered;
	s3 =	sadd.s32 s3, s5;
	[dreg:$0x0] =	wrdreg $0x0  }
0xa8: {  	s5 =	sshll.u32 s28, $0x1;
	[dreg:$0x2] =	wrdreg s3  }
0xa9: {  	[dreg:$0x3] =	wrdreg s5  }
0xaa: {  	[dreg:$0x4] =	wrdreg $0xC0  }
0xab: {  	_ =	task [dreg:s7], $0x5FFFF  }
0xac: {  	[dreg:$0x1] =	wrdreg $0xFFFFFFFF  }
0xad: {  	[dreg:$0x0] =	wrdreg $0x60  }
0xae: {  	[dreg:$0x2] =	wrdreg s24  }
0xaf: {  	[dreg:$0x3] =	wrdreg s2  }
0xb0: {  	[dreg:$0x4] =	wrdreg $0x3D400  }
0xb1: {  	[dreg:$0x5] =	wrdreg $0x9  }
0xb2: {  	_ =	task.clear_ibuf [dreg:s7], $0x6FFFF;
	_ =	strace $0x9000004C  }
0xb3: {  	s29 =	simm.s32 $0x9;
	_ =	strace $0x8000004E  }
0xb4: {  	_ =	swait.ge [sflag:s29], $0x1  }
0xb5: {  	[sflag:s29] =	ssyncadd.s32 $0xFFFFFFFF  }
0xb6: {  	_ =	strace $0x9000004E  }
0xb7: {  	_ =	sfence  }
0xb8: {  	s30 =	sld [smem:$0x0];
	_ =	sdelay $0x2  }
0xb9: {  	s31 =	sshll.u32 s1, $0xD;
	s1 =	sshrl.u32 s1, $0x2  }
0xba: {  	s3 =	sand.u32 $0x4000, s31;
	s1 =	sadd.s32 s1, s30  }
0xbb: {  	s0 =	sor.u32 s3, s0;
	s1 =	sshll.u32 s1, $0x11  }
0xbc: {  	s0 =	sor.u32 s1, s0  }
0xbd: {  	s0 =	sadd.s32 $0x8F2B, s0  }
0xbe: {  	[sflag:s0] =	ssyncadd.remote.s32 $0x1  }
0xbf: {  	_ =	sfence.sel $0xFFFF  }
0xc0: {  	[dreg:$0x0] =	wrdreg $0xFFFFFFFF;
	(pc) =	sbr.abs _section_cstart, $3  }
0xc1: {  	[dreg:$0x1] =	wrdreg $0xFFFFFFFF  }
0xc2: {  	_ =	task.clear_ibuf [dreg:s7], $0x2FFFF;
	_ =	strace $0x9FFFFFFF  }
0xc3: {  	(tm) =	ssettm $0x7FFFFFFF  }
tec
execute0_lowered:
.L_overlay_start_1:
0x0: {  	(tag) =	ssettag $0x1  }
0x1: {  	s0 =	rddreg [dreg:$0x0]  }
0x2: {  	s2 =	rddreg [dreg:$0x1]  }
0x3: {  	s3 =	rddreg [dreg:$0x2];
	s4 =	simm.s32 $0x0  }
0x4: {  	s12 =	stileid.u32;
	s1 =	srdreg.scid;
	s14 =	simm.s32 $0x7D0  }
0x5: {  	s16 =	simm.s32 $0x5;
	s17 =	simm.s32 $0x4;
	s18 =	simm.s32 $0x50  }
0x6: {  	s19 =	simm.s32 $0xFA0;
	s20 =	simm.s32 $0x1F40;
	s21 =	simm.s32 $0x1  }
0x7: {  	s22 =	simm.s32 $0x6;
	s23 =	simm.s32 $0x3;
	s24 =	simm.s32 $0x0  }
0x8: {  	[smem:$0x7FF] =	sst s4;
	s9 =	smul.u32 $0x7800, s12;
	s1 =	sand.u32 $0x1, s1  }
0x9: {  	s8 =	sshll.u32 s12, $0x1;
	s5 =	sadd.s32 $0xBE00, s0;
	s6 =	sadd.s32 $0x1E00, s0  }
0xa: {  	s31 =	sshll.u32 s12, $0x6;
	_ =	strace $0x8000004D;
	s7 =	smul.u32 $0x78000, s1  }
0xb: {  	s8 =	sor.u32 s1, s8;
	s1 =	ssub.s32 $0x2, s1;
	s10 =	sshrl.u32 s9, $0x3  }
0xc: {  	s11 =	smul.u32 $0x2710, s8;
	s26 =	sshrl.u32 s1, $0x1;
	s15 =	sadd.s32 s9, s3  }
0xd: {  	s7 =	sadd.s32 s9, s7;
	s10 =	sadd.s32 s10, s0;
	s1 =	ssub.s32 s1, s26  }
.Ltmp0:
0xe: {  	s15 =	sshrl.u32 s15, $0x3;
	s7 =	sshrl.u32 s7, $0x3;
	(pc) =	sbr.rel .LBB2_1-.Ltmp0, $4  }
0xf: {  	s8 =	sshrl.u32 s11, $0x3;
	s30 =	sadd.s32 $0x1AA00, s10;
	s10 =	sor.u32 $0x1C05, s31  }
0x10: {  	s11 =	sadd.s32 $0x7D0, s11;
	s28 =	sadd.s32 s2, s8;
	[dreg:$0x6] =	wrdreg s30  }
0x11: {  	s0 =	sadd.s32 s7, s0;
	s29 =	sadd.s32 s6, s8;
	[dreg:$0x4] =	wrdreg s28  }
0x12: {  	s13 =	smax.u32 s1, $0x1;
	[dreg:$0x5] =	wrdreg s29;
	s12 =	sadd.s32 $0x29A00, s0  }
.LBB2_10:
0x13: {  	s24 =	sadd.s32 $0x1, s24  }
0x14: {  	p0 =	sne.s32 s24, s13  }
.Ltmp1:
0x15: {  	[bflag:$0x0] =	sbarrier.arrive $0xFFFF;
	(pc) =	sbr.rel @!p0 .LBB2_11-.Ltmp1, $4  }
0x16: {  	[hbm:s12], [sflag:s10] =	dma.local [spmem:s15], $0xF00  }
0x17: {  	_ =	swait.ge [sflag:s16], $0xF00  }
0x18: {  	[sflag:s16] =	ssyncset.done $0x0  }
0x19: {  	[sflag:s16] =	ssyncadd.s32 $0xFFFFF100  }
.LBB2_1:
0x1a: {  	s0 =	rddreg [dreg:$0x4]  }
0x1b: {  	s30 =	rddreg [dreg:$0x5]  }
0x1c: {  	[tilespmem:s4], [sflag:$0x3] =	stream.linear.gather [hbm4b:s0+s4], $0x7D0, $0x38;
	[tilespmem:$0xB540] =	vst v63  }
0x1d: {  	s31 =	rddreg [dreg:$0x6]  }
0x1e: {  	[tilespmem:s14], [sflag:$0x3] =	stream.linear.gather [hbm4b:s30+s4], $0x7D0, $0x38;
	[tilespmem:$0xB540] =	vst v63  }
0x1f: {  	[spmem:s15], [sflag:s10] =	dma.local [hbm:s31], $0xF00  }
.Ltmp2:
0x20: {  	_ =	swait.ge [sflag:s16], $0xF00;
	(pc) =	sbr.rel .LBB2_2-.Ltmp2, $4  }
0x21: {  	[sflag:s16] =	ssyncset.done $0x0  }
0x22: {  	[sflag:s16] =	ssyncadd.s32 $0xFFFFF100  }
0x23: {  	[bflag:$0x0] =	sbarrier.arrive $0xFFFF  }
0x24: {  	s25 =	simm.s32 $0x0  }
.LBB2_5:
0x25: {  	p0 =	seq.s32 s1, $0x0;
	s7 =	sand.u32 $0x1, s30;
	[sflag:s0] =	ssyncset.done $0x0  }
0x26: {  	s8 =	simm.s32 @!p0 $0x50;
	s9 =	simm.s32 @!p0 $0x1F40;
	[sflag:s0] =	ssyncadd.s32 $0xFFFFF100  }
0x27: {  	[tilespmem:s9], [sflag:$0x1] =	stream.indirect.gather @!p0 [hbm4b:s5+s8], $0x30, s29, s8, $0xb8;
	[tilespmem:$0xB540] =	vst v63  }
0x28: {  	p1 =	seq.s32 s7, $0x0;
	p0 =	sne.s32 s1, $0x0  }
0x29: {  	s0 =	simm.s32 @!p1 $0x50;
	s1 =	simm.s32 @!p1 $0x2E40;
	s7 =	simm.s32 @p0 $0x2  }
0x2a: {  	[tilespmem:s1], [sflag:$0x2] =	stream.indirect.gather @!p1 [hbm4b:s5+s0], $0x30, s29, s0, $0xb8;
	[tilespmem:$0xB540] =	vst v63  }
0x2b: {  	_ =	swait.ge @p0 [sflag:s7], $0xF00  }
0x2c: {  	s0 =	simm.s32 @p0 $0x50;
	[sflag:s7] =	ssyncset.done @p0 $0x0  }
0x2d: {  	s1 =	simm.s32 @p0 $0x2E40;
	[sflag:s7] =	ssyncadd.s32 @p0 $0xFFFFF100;
	s7 =	simm.s32 @!p0 $0x1  }
0x2e: {  	[spmem:s3] =	stream.indirect.scatter.add.f32 @p0 [tilespmem:s1], [sflag:$0x5], $0x30, s28, s0, $0xb8;
	[tilespmem:$0xB540] =	vst v63  }
0x2f: {  	_ =	swait.ge @!p0 [sflag:s7], $0xF00  }
0x30: {  	s8 =	simm.s32 @!p0 $0x1F40;
	s0 =	simm.s32 @!p0 $0x6;
	[sflag:s7] =	ssyncset.done @!p0 $0x0  }
0x31: {  	s1 =	simm.s32 @!p0 $0x50;
	s0 =	simm.s32 @p0 $0x5;
	[sflag:s7] =	ssyncadd.s32 @!p0 $0xFFFFF100  }
0x32: {  	[spmem:s3] =	stream.indirect.scatter.add.f32 @!p0 [tilespmem:s8], [sflag:$0x6], $0x30, s28, s1, $0xb8;
	[tilespmem:$0xB540] =	vst v63  }
0x33: {  	_ =	swait.ge [sflag:s0], $0xF00  }
0x34: {  	[sflag:s0] =	ssyncset.done $0x0  }
0x35: {  	[sflag:s0] =	ssyncadd.s32 $0xFFFFF100  }
.LBB2_9:
0x36: {  	_ =	swait.ge [sflag:s21], $0xF00;
	s25 =	sadd.s32 $0x1, s25  }
0x37: {  	[sflag:s21] =	ssyncset.done $0x0;
	p0 =	sne.s32 s25, $0x5  }
.Ltmp3:
0x38: {  	s0 =	sadd.s32 $0x780, s26;
	[sflag:s21] =	ssyncadd.s32 $0xFFFFF100;
	(pc) =	sbr.rel @!p0 .LBB2_10-.Ltmp3, $4  }
0x39: {  	[spmem:s3] =	stream.indirect.scatter.add.f32 [tilespmem:s20], [sflag:$0x6], $0x30, s0, s18, $0xb8;
	[tilespmem:$0xB540] =	vst v63  }
0x3a: {  	_ =	swait.ge [sflag:s22], $0xF00  }
0x3b: {  	[sflag:s22] =	ssyncset.done $0x0  }
0x3c: {  	[sflag:s22] =	ssyncadd.s32 $0xFFFFF100  }
.LBB2_2:
0x3d: {  	s0 =	sand.u32 $0x1, s25  }
0x3e: {  	p0 =	seq.s32 s0, $0x1  }
.Ltmp4:
0x3f: {  	_ = 	snop;
	(pc) =	sbr.rel @!p0 .LBB2_3-.Ltmp4, $1  }
0x40: {  	_ =	sdelay $0x3  }
0x41: {  	_ =	swait.ge [sflag:s17], $0x7D0  }
0x42: {  	s0 =	smul.u32 $0x7D0, s25;
	[sflag:s17] =	ssyncset.done $0x0  }
0x43: {  	[sflag:s17] =	ssyncadd.s32 $0xFFFFF830  }
0x44: {  	s0 =	sadd.s32 s0, s11;
	_ =	swait.ge [sflag:s17], $0x7D0  }
0x45: {  	s0 =	sshrl.u32 s0, $0x3;
	[sflag:s17] =	ssyncset.done $0x0  }
0x46: {  	s1 =	sadd.s32 s2, s0;
	[sflag:s17] =	ssyncadd.s32 $0xFFFFF830  }
0x47: {  	[tilespmem:s4], [sflag:$0x3] =	stream.linear.gather [hbm4b:s1+s4], $0x7D0, $0x38;
	[tilespmem:$0xB540] =	vst v63  }
0x48: {  	s7 =	simm.s32 $0x0;
	s0 =	sadd.s32 s6, s0  }
0x49: {  	[tilespmem:s14], [sflag:$0x3] =	stream.linear.gather [hbm4b:s0+s4], $0x7D0, $0x38;
	[tilespmem:$0xB540] =	vst v63  }
0x4a: {  	s8 =	simm.s32 $0x1;
	s0 =	sand.u32 $0x1, s7  }
0x4b: {  	s1 =	sand.u32 $0x1, s8;
	p0 =	seq.s32 s0, $0x0  }
0x4c: {  	[tilespmem:s20], [sflag:$0x1] =	stream.indirect.gather [hbm4b:s5+s18], $0x30, s19, s18, $0xb8;
	[tilespmem:$0xB540] =	vst v63  }
0x4d: {  	s7 =	simm.s32 $0xFF0;
	s8 =	simm.s32 @!p0 $0x50;
	s9 =	simm.s32 @!p0 $0x1F40  }
0x4e: {  	[tilespmem:s9], [sflag:$0x1] =	stream.indirect.gather @!p0 [hbm4b:s5+s8], $0x30, s7, s8, $0xb8;
	[tilespmem:$0xB540] =	vst v63  }
0x4f: {  	p1 =	seq.s32 s1, $0x0;
	p0 =	sne.s32 s0, $0x0  }
0x50: {  	s1 =	simm.s32 @!p1 $0x2E40;
	s0 =	simm.s32 @!p1 $0x50;
	s8 =	simm.s32 @p0 $0x2  }
0x51: {  	[tilespmem:s1], [sflag:$0x2] =	stream.indirect.gather @!p1 [hbm4b:s5+s0], $0x30, s7, s0, $0xb8;
	[tilespmem:$0xB540] =	vst v63  }
0x52: {  	s26 =	simm.s32 $0x1770;
	s30 =	simm.s32 $0x2;
	_ =	swait.ge @p0 [sflag:s8], $0xF00  }
0x53: {  	s31 =	simm.s32 $0x3;
	s0 =	simm.s32 @p0 $0x50;
	[sflag:s8] =	ssyncset.done @p0 $0x0  }
0x54: {  	s1 =	simm.s32 @p0 $0x2E40;
	s7 =	simm.s32 @!p0 $0x1;
	[sflag:s8] =	ssyncadd.s32 @p0 $0xFFFFF100  }
0x55: {  	[spmem:s3] =	stream.indirect.scatter.add.f32 @p0 [tilespmem:s1], [sflag:$0x5], $0x30, s26, s0, $0xb8;
	[tilespmem:$0xB540] =	vst v63  }
0x56: {  	s29 =	simm.s32 $0x1040;
	s9 =	simm.s32 $0x1;
	_ =	swait.ge @!p0 [sflag:s7], $0xF00  }
0x57: {  	s8 =	simm.s32 @!p0 $0x1F40;
	s0 =	simm.s32 @!p0 $0x6;
	[sflag:s7] =	ssyncset.done @!p0 $0x0  }
0x58: {  	s1 =	simm.s32 @!p0 $0x50;
	s0 =	simm.s32 @p0 $0x5;
	[sflag:s7] =	ssyncadd.s32 @!p0 $0xFFFFF100  }
0x59: {  	[spmem:s3] =	stream.indirect.scatter.add.f32 @!p0 [tilespmem:s8], [sflag:$0x6], $0x30, s26, s1, $0xb8;
	[tilespmem:$0xB540] =	vst v63  }
0x5a: {  	s28 =	simm.s32 $0x17C0;
	s1 =	sand.u32 $0x1, s9;
	_ =	swait.ge [sflag:s0], $0xF00  }
.LBB2_7:
0x5b: {  	p0 =	seq.s32 s1, $0x0  }
0x5c: {  	s7 =	sand.u32 $0x1, s30;
	[sflag:s0] =	ssyncset.done $0x0;
	s30 =	smov.u32 s31  }
0x5d: {  	s8 =	simm.s32 @!p0 $0x50;
	s9 =	simm.s32 @!p0 $0x1F40;
	[sflag:s0] =	ssyncadd.s32 $0xFFFFF100  }
0x5e: {  	[tilespmem:s9], [sflag:$0x1] =	stream.indirect.gather @!p0 [hbm4b:s5+s8], $0x30, s29, s8, $0xb8;
	[tilespmem:$0xB540] =	vst v63  }
0x5f: {  	s31 =	sadd.s32 $0x1, s31;
	p1 =	seq.s32 s7, $0x0;
	p0 =	sne.s32 s1, $0x0  }
0x60: {  	s0 =	simm.s32 @!p1 $0x50;
	s1 =	simm.s32 @!p1 $0x2E40;
	s7 =	simm.s32 @p0 $0x2  }
0x61: {  	[tilespmem:s1], [sflag:$0x2] =	stream.indirect.gather @!p1 [hbm4b:s5+s0], $0x30, s29, s0, $0xb8;
	[tilespmem:$0xB540] =	vst v63  }
0x62: {  	p1 =	sne.s32 s31, $0x19;
	_ =	swait.ge @p0 [sflag:s7], $0xF00  }
0x63: {  	s0 =	simm.s32 @p0 $0x50;
	s1 =	simm.s32 @p0 $0x2E40;
	[sflag:s7] =	ssyncset.done @p0 $0x0  }
0x64: {  	s29 =	sadd.s32 $0x50, s29;
	[sflag:s7] =	ssyncadd.s32 @p0 $0xFFFFF100;
	s7 =	simm.s32 @!p0 $0x1  }
0x65: {  	[spmem:s3] =	stream.indirect.scatter.add.f32 @p0 [tilespmem:s1], [sflag:$0x5], $0x30, s28, s0, $0xb8;
	[tilespmem:$0xB540] =	vst v63  }
.Ltmp5:
0x66: {  	s0 =	simm.s32 @!p0 $0x6;
	_ =	swait.ge @!p0 [sflag:s7], $0xF00;
	(pc) =	sbr.rel @p1 .LBB2_7-.Ltmp5, $4  }
0x67: {  	s8 =	simm.s32 @!p0 $0x1F40;
	s1 =	simm.s32 @!p0 $0x50;
	[sflag:s7] =	ssyncset.done @!p0 $0x0  }
0x68: {  	s9 =	sadd.s32 $0xFFFFFFFF, s30;
	s0 =	simm.s32 @p0 $0x5;
	[sflag:s7] =	ssyncadd.s32 @!p0 $0xFFFFF100  }
0x69: {  	[spmem:s3] =	stream.indirect.scatter.add.f32 @!p0 [tilespmem:s8], [sflag:$0x6], $0x30, s28, s1, $0xb8;
	[tilespmem:$0xB540] =	vst v63  }
0x6a: {  	s1 =	sand.u32 $0x1, s9;
	s28 =	sadd.s32 $0x50, s28;
	_ =	swait.ge [sflag:s0], $0xF00  }
0x6b: {  	p0 =	seq.s32 s1, $0x0;
	s7 =	sand.u32 $0x1, s30;
	[sflag:s0] =	ssyncset.done $0x0  }
0x6c: {  	s8 =	simm.s32 @!p0 $0x50;
	s9 =	simm.s32 @!p0 $0x1F40;
	[sflag:s0] =	ssyncadd.s32 $0xFFFFF100  }
0x6d: {  	[tilespmem:s9], [sflag:$0x1] =	stream.indirect.gather @!p0 [hbm4b:s5+s8], $0x30, s29, s8, $0xb8;
	[tilespmem:$0xB540] =	vst v63  }
0x6e: {  	p1 =	seq.s32 s7, $0x0;
	p0 =	sne.s32 s1, $0x0  }
0x6f: {  	s0 =	simm.s32 @!p1 $0x50;
	s1 =	simm.s32 @!p1 $0x2E40;
	s7 =	simm.s32 @p0 $0x2  }
0x70: {  	[tilespmem:s1], [sflag:$0x2] =	stream.indirect.gather @!p1 [hbm4b:s5+s0], $0x30, s29, s0, $0xb8;
	[tilespmem:$0xB540] =	vst v63  }
0x71: {  	_ =	swait.ge @p0 [sflag:s7], $0xF00  }
0x72: {  	s0 =	simm.s32 @p0 $0x50;
	[sflag:s7] =	ssyncset.done @p0 $0x0  }
0x73: {  	s1 =	simm.s32 @p0 $0x2E40;
	[sflag:s7] =	ssyncadd.s32 @p0 $0xFFFFF100;
	s7 =	simm.s32 @!p0 $0x1  }
0x74: {  	[spmem:s3] =	stream.indirect.scatter.add.f32 @p0 [tilespmem:s1], [sflag:$0x5], $0x30, s28, s0, $0xb8;
	[tilespmem:$0xB540] =	vst v63  }
0x75: {  	s8 =	simm.s32 @!p0 $0x1F40;
	_ =	swait.ge @!p0 [sflag:s7], $0xF00  }
0x76: {  	s0 =	simm.s32 @!p0 $0x6;
	s1 =	simm.s32 @!p0 $0x50;
	[sflag:s7] =	ssyncset.done @!p0 $0x0  }
.Ltmp6:
0x77: {  	s0 =	simm.s32 @p0 $0x5;
	[sflag:s7] =	ssyncadd.s32 @!p0 $0xFFFFF100;
	(pc) =	sbr.rel .LBB2_9-.Ltmp6, $4  }
0x78: {  	[spmem:s3] =	stream.indirect.scatter.add.f32 @!p0 [tilespmem:s8], [sflag:$0x6], $0x30, s28, s1, $0xb8;
	[tilespmem:$0xB540] =	vst v63  }
0x79: {  	_ =	swait.ge [sflag:s0], $0xF00  }
0x7a: {  	[sflag:s0] =	ssyncset.done $0x0  }
0x7b: {  	[sflag:s0] =	ssyncadd.s32 $0xFFFFF100  }
.LBB2_3:
0x7c: {  	_ =	swait.ge [sflag:s23], $0x7D0;
	p0 =	seq.s32 s25, $0x4  }
0x7d: {  	[sflag:s23] =	ssyncset.done $0x0;
	s0 =	smul.u32 @!p0 $0x7D0, s25  }
0x7e: {  	[sflag:s23] =	ssyncadd.s32 $0xFFFFF830  }
0x7f: {  	_ =	swait.ge [sflag:s23], $0x7D0;
	s0 =	sadd.s32 @!p0 s0, s11  }
0x80: {  	s26 =	simm.s32 @!p0 $0x0;
	[sflag:s23] =	ssyncset.done $0x0;
	s0 =	sshrl.u32 @!p0 s0, $0x3  }
0x81: {  	s28 =	simm.s32 @!p0 $0xFA0;
	[sflag:s23] =	ssyncadd.s32 $0xFFFFF830;
	s1 =	sadd.s32 @!p0 s2, s0  }
0x82: {  	[tilespmem:s28], [sflag:$0x4] =	stream.linear.gather @!p0 [hbm4b:s1+s26], $0x7D0, $0x38;
	[tilespmem:$0xB540] =	vst v63  }
0x83: {  	s7 =	simm.s32 $0x0;
	s0 =	sadd.s32 @!p0 s6, s0;
	s1 =	simm.s32 @!p0 $0x1770  }
0x84: {  	[tilespmem:s1], [sflag:$0x4] =	stream.linear.gather @!p0 [hbm4b:s0+s26], $0x7D0, $0x38;
	[tilespmem:$0xB540] =	vst v63  }
0x85: {  	s1 =	sand.u32 $0x1, s7  }
0x86: {  	s8 =	simm.s32 $0x1;
	s0 =	simm.s32 $0x50;
	p0 =	seq.s32 s1, $0x0  }
0x87: {  	[tilespmem:s20], [sflag:$0x1] =	stream.indirect.gather [hbm4b:s5+s0], $0x30, s4, s0, $0xb8;
	[tilespmem:$0xB540] =	vst v63  }
0x88: {  	s26 =	sand.u32 $0x1, s8;
	s28 =	simm.s32 @!p0 $0x50;
	s29 =	simm.s32 @!p0 $0x1F40  }
0x89: {  	[tilespmem:s29], [sflag:$0x1] =	stream.indirect.gather @!p0 [hbm4b:s5+s28], $0x30, s0, s28, $0xb8;
	[tilespmem:$0xB540] =	vst v63  }
0x8a: {  	p1 =	seq.s32 s26, $0x0;
	p0 =	sne.s32 s1, $0x0  }
0x8b: {  	s26 =	simm.s32 @!p1 $0x2E40;
	s1 =	simm.s32 @!p1 $0x50;
	s28 =	simm.s32 @p0 $0x2  }
0x8c: {  	[tilespmem:s26], [sflag:$0x2] =	stream.indirect.gather @!p1 [hbm4b:s5+s1], $0x30, s0, s1, $0xb8;
	[tilespmem:$0xB540] =	vst v63  }
0x8d: {  	s30 =	simm.s32 $0x2;
	s31 =	simm.s32 $0x3;
	_ =	swait.ge @p0 [sflag:s28], $0xF00  }
0x8e: {  	s26 =	simm.s32 $0x7D0;
	s0 =	simm.s32 @p0 $0x50;
	[sflag:s28] =	ssyncset.done @p0 $0x0  }
0x8f: {  	s1 =	simm.s32 @p0 $0x2E40;
	[sflag:s28] =	ssyncadd.s32 @p0 $0xFFFFF100;
	s28 =	simm.s32 @!p0 $0x1  }
0x90: {  	[spmem:s3] =	stream.indirect.scatter.add.f32 @p0 [tilespmem:s1], [sflag:$0x5], $0x30, s26, s0, $0xb8;
	[tilespmem:$0xB540] =	vst v63  }
0x91: {  	s9 =	simm.s32 $0x1;
	s29 =	simm.s32 @!p0 $0x1F40;
	_ =	swait.ge @!p0 [sflag:s28], $0xF00  }
0x92: {  	s0 =	simm.s32 @!p0 $0x6;
	s1 =	simm.s32 @!p0 $0x50;
	[sflag:s28] =	ssyncset.done @!p0 $0x0  }
0x93: {  	s0 =	simm.s32 @p0 $0x5;
	[sflag:s28] =	ssyncadd.s32 @!p0 $0xFFFFF100;
	s28 =	simm.s32 $0x820  }
0x94: {  	[spmem:s3] =	stream.indirect.scatter.add.f32 @!p0 [tilespmem:s29], [sflag:$0x6], $0x30, s26, s1, $0xb8;
	[tilespmem:$0xB540] =	vst v63  }
0x95: {  	s29 =	simm.s32 $0xA0;
	s1 =	sand.u32 $0x1, s9;
	_ =	swait.ge [sflag:s0], $0xF00  }
.LBB2_4:
0x96: {  	p0 =	seq.s32 s1, $0x0  }
0x97: {  	s7 =	sand.u32 $0x1, s30;
	[sflag:s0] =	ssyncset.done $0x0;
	s30 =	smov.u32 s31  }
0x98: {  	s8 =	simm.s32 @!p0 $0x50;
	s9 =	simm.s32 @!p0 $0x1F40;
	[sflag:s0] =	ssyncadd.s32 $0xFFFFF100  }
0x99: {  	[tilespmem:s9], [sflag:$0x1] =	stream.indirect.gather @!p0 [hbm4b:s5+s8], $0x30, s29, s8, $0xb8;
	[tilespmem:$0xB540] =	vst v63  }
0x9a: {  	s31 =	sadd.s32 $0x1, s31;
	p1 =	seq.s32 s7, $0x0;
	p0 =	sne.s32 s1, $0x0  }
0x9b: {  	s0 =	simm.s32 @!p1 $0x50;
	s1 =	simm.s32 @!p1 $0x2E40;
	s7 =	simm.s32 @p0 $0x2  }
0x9c: {  	[tilespmem:s1], [sflag:$0x2] =	stream.indirect.gather @!p1 [hbm4b:s5+s0], $0x30, s29, s0, $0xb8;
	[tilespmem:$0xB540] =	vst v63  }
0x9d: {  	p1 =	seq.s32 s31, $0x19;
	_ =	swait.ge @p0 [sflag:s7], $0xF00  }
0x9e: {  	s0 =	simm.s32 @p0 $0x50;
	s1 =	simm.s32 @p0 $0x2E40;
	[sflag:s7] =	ssyncset.done @p0 $0x0  }
0x9f: {  	s29 =	sadd.s32 $0x50, s29;
	[sflag:s7] =	ssyncadd.s32 @p0 $0xFFFFF100;
	s7 =	simm.s32 @!p0 $0x1  }
0xa0: {  	[spmem:s3] =	stream.indirect.scatter.add.f32 @p0 [tilespmem:s1], [sflag:$0x5], $0x30, s28, s0, $0xb8;
	[tilespmem:$0xB540] =	vst v63  }
.Ltmp7:
0xa1: {  	s0 =	simm.s32 @!p0 $0x6;
	_ =	swait.ge @!p0 [sflag:s7], $0xF00;
	(pc) =	sbr.rel @!p1 .LBB2_4-.Ltmp7, $4  }
0xa2: {  	s8 =	simm.s32 @!p0 $0x1F40;
	s1 =	simm.s32 @!p0 $0x50;
	[sflag:s7] =	ssyncset.done @!p0 $0x0  }
0xa3: {  	s9 =	sadd.s32 $0xFFFFFFFF, s30;
	s0 =	simm.s32 @p0 $0x5;
	[sflag:s7] =	ssyncadd.s32 @!p0 $0xFFFFF100  }
0xa4: {  	[spmem:s3] =	stream.indirect.scatter.add.f32 @!p0 [tilespmem:s8], [sflag:$0x6], $0x30, s28, s1, $0xb8;
	[tilespmem:$0xB540] =	vst v63  }
0xa5: {  	s1 =	sand.u32 $0x1, s9;
	s28 =	sadd.s32 $0x50, s28;
	_ =	swait.ge [sflag:s0], $0xF00  }
.Ltmp8:
0xa6: {  	_ = 	snop;
	(pc) =	sbr.rel .LBB2_5-.Ltmp8, $1  }
0xa7: {  	_ =	sdelay $0x3  }
.LBB2_11:
0xa8: {  	_ =	sfence.sel $0x180000  }
0xa9: {  	[bflag:$0x0] =	sbarrier.arrive $0xFFFF  }
0xaa: {  	_ =	strace $0x9000004D  }
0xab: {  	s0 =	stileid.u32;
	[bflag:$0x2] =	sbarrier.arrive $0xFFFF  }
0xac: {  	p0 =	sne.s32 s0, $0x0;
	s0 =	rddreg [dreg:$0x3]  }
0xad: {  	s0 =	sadd.s32 @!p0 $0x100000, s0  }
0xae: {  	[sflag:s0] =	ssyncadd.tile.s32 @!p0 $0x1;
	_ =	shalt  }
.Lfunc_end2:
_tile_overlayer_lowered:
.L_overlay_start_2:
0xaf: {  	(tag) =	ssettag $0x2  }
0xb0: {  	s0 =	rddreg [dreg:$0x0];
	s2 =	stileid.u32  }
0xb1: {  	s1 =	rddreg [dreg:$0x1];
	p0 =	sne.s32 s2, $0x0  }
0xb2: {  	s3 =	rddreg [dreg:$0x2];
	[bflag:$0x3] =	sbarrier.arrive $0xFFFF;
	s2 =	simm.s32 @!p0 $0x1C05  }
0xb3: {  	[timem:s3], [sflag:s2] =	dma.local @!p0 [hbm:s0], s1  }
0xb4: {  	s0 =	simm.s32 @!p0 $0x5  }
0xb5: {  	_ =	swait.ge @!p0 [sflag:s0], s1  }
0xb6: {  	s1 =	ssub.s32 @!p0 $0x0, s1;
	[sflag:s0] =	ssyncset.done @!p0 $0x0  }
0xb7: {  	[sflag:s0] =	ssyncadd.s32 @!p0 s1  }
0xb8: {  	[bflag:$0x3] =	sbarrier.arrive $0xFFFF  }
0xb9: {  	_ =	shalt  }

// kernel: kernel.8.cloned.1.call-start
scs
__scs_entry_jumppad:
0x0: {  	(pc) =	sbr.rel $0x88, $3  }
0x1: {  	(tag) =	ssettag $0x0;
	lr =	simm.s32 $0x1  }
0x2: {  	[smem:$0x3F9B] =	sst lr;
	_ =	strace $0xD0000000  }
0x3: {  	_ = 	snop  }
0x4: {  	_ = 	snop  }
0x5: {  	_ = 	snop  }
0x6: {  	_ = 	snop  }
0x7: {  	_ = 	snop  }
__scs_overlays_trampoline_lowered:
0x8: {  	[smem:$0x3FAA] =	sst s0  }
0x9: {  	[smem:$0x3FAB] =	sst s1  }
0xa: {  	[smem:$0x3FAC] =	sst s2  }
0xb: {  	[smem:$0x3FAD] =	sst s3  }
0xc: {  	[smem:$0x3FAE] =	sst s4  }
0xd: {  	[smem:$0x3FAF] =	sst s5  }
0xe: {  	[smem:$0x3FB0] =	sst s6  }
0xf: {  	[smem:$0x3FB1] =	sst s7  }
0x10: {  	[smem:$0x3FB2] =	sst s8  }
0x11: {  	[smem:$0x3FB3] =	sst s9;
	s0 =	simm.s32 @!p0 $0x0  }
0x12: {  	s1 =	sld [smem:$0x3F99];
	s0 =	simm.s32 @p0 $0x1  }
0x13: {  	[smem:$0x3FB4] =	sst s0;
	s0 =	simm.s32 @!p1 $0x0  }
0x14: {  	s2 =	sld [smem:$0x3F98];
	s0 =	simm.s32 @p1 $0x1  }
0x15: {  	[smem:$0x3FB5] =	sst s0;
	s0 =	simm.s32 @!p2 $0x0  }
0x16: {  	s3 =	sld [smem:$0x3FDB];
	s0 =	simm.s32 @p2 $0x1  }
0x17: {  	s4 =	simm.s32 $0x1BF5;
	[smem:$0x3FB7] =	sst s0  }
0x18: {  	s0 =	sld [smem:$0x3F9A];
	_ =	swait.ge [sflag:s4], $0x0  }
0x19: {  	s7 =	sld [smem:$0x3F9B]  }
0x1a: {  	s8 =	sadd.s32 $0xFFFFE003, lr  }
0x1b: {  	s9 =	sadd.s32 $0xFFFFFEF7, lr;
	s5 =	simm.s32 $0xFFFFFFFF;
	p2 =	slt.u32 s8, $0xFFFFF086  }
0x1c: {  	p1 =	slt.u32 s9, $0xF7A;
	s5 =	simm.s32 @!p2 $0x0  }
0x1d: {  	s5 =	simm.s32 @p1 $0x1;
	p0 =	seq.s32 s7, s2  }
0x1e: {  	s7 =	smul.u32 @!p0 $0xF7A, s2;
	p2 =	seq.s32 @!p0 s5, $0x0  }
0x1f: {  	s9 =	smul.u32 $0xF7A, s1;
	s8 =	simm.s32 @!p0 $0x1BF5;
	p2 =	por !p2, p0  }
0x20: {  	[sflag:s8] =	ssyncset.s32 @!p0 $0xFFFFF086;
	s6 =	sadd.s32 @!p0 s3, s7;
	s7 =	simm.s32 @!p0 $0x108  }
0x21: {  	s3 =	sadd.s32 s3, s9;
	s6 =	sadd.s32 @!p0 $0x88, s6;
	s7 =	simm.s32 @p2 $0x1082  }
0x22: {  	[simem:s7], [sflag:s8] =	dma.local @!p0 [hbm:s6], $0xF7A  }
0x23: {  	s9 =	sor.u32 $0xD0000000, s2;
	s6 =	simm.s32 $0x108;
	_ =	swait.ge @!p0 [sflag:s8], $0x0  }
0x24: {  	s3 =	sadd.s32 $0x88, s3;
	s6 =	simm.s32 @!p1 $0x1082;
	[sflag:s4] =	ssyncset.s32 $0xFFFFF086  }
0x25: {  	[simem:s6], [sflag:s4] =	dma.local [hbm:s3], $0xF7A  }
0x26: {  	[smem:$0x3F9B] =	sst s1;
	(tag) =	ssettag s2;
	_ =	strace s9  }
0x27: {  	s1 =	sld [smem:$0x3FAB]  }
0x28: {  	s2 =	sld [smem:$0x3FAC]  }
0x29: {  	s4 =	sld [smem:$0x3FAE]  }
0x2a: {  	p0 =	seq.s32 s5, $0x0;
	s5 =	sld [smem:$0x3FAF]  }
0x2b: {  	s6 =	sld [smem:$0x3FB0]  }
0x2c: {  	s7 =	sld [smem:$0x3FB1]  }
0x2d: {  	s3 =	simm.s32 $0x108;
	s8 =	sld [smem:$0x3FB2]  }
0x2e: {  	s3 =	simm.s32 @!p0 $0x1082;
	s9 =	sld [smem:$0x3FB3]  }
0x2f: {  	lr =	sadd.s32 s0, s3;
	s0 =	sld [smem:$0x3FAA]  }
0x30: {  	s3 =	sld [smem:$0x3FAD]  }
0x31: {  	[smem:$0x3FB6] =	sst s10  }
0x32: {  	s10 =	sld [smem:$0x3FB4];
	_ =	sdelay $0x3  }
0x33: {  	p0 =	seq.s32 s10, $0x1;
	s10 =	sld [smem:$0x3FB6];
	_ =	sdelay $0x3  }
0x34: {  	[smem:$0x3FB6] =	sst s10  }
0x35: {  	s10 =	sld [smem:$0x3FB5];
	_ =	sdelay $0x3  }
0x36: {  	p1 =	seq.s32 s10, $0x1;
	s10 =	sld [smem:$0x3FB6];
	_ =	sdelay $0x3  }
0x37: {  	[smem:$0x3FB6] =	sst s10  }
0x38: {  	s10 =	sld [smem:$0x3FB7]  }
0x39: {  	_ = 	snop;
	(pc) =	sbr.ind lr, $3  }
0x3a: {  	_ = 	snop  }
0x3b: {  	_ = 	snop  }
0x3c: {  	p2 =	seq.s32 s10, $0x1;
	s10 =	sld [smem:$0x3FB6]  }
0x3d: {  	_ =	shalt  }
0x3e: {  	_ =	shalt  }
0x3f: {  	_ =	shalt  }
0x40: {  	_ =	shalt  }
0x41: {  	_ =	shalt  }
0x42: {  	_ =	shalt  }
0x43: {  	_ =	shalt  }
0x44: {  	_ =	shalt  }
0x45: {  	_ =	shalt  }
0x46: {  	_ =	shalt  }
0x47: {  	_ =	shalt  }
0x48: {  	_ =	shalt  }
0x49: {  	_ =	shalt  }
0x4a: {  	_ =	shalt  }
0x4b: {  	_ =	shalt  }
0x4c: {  	_ =	shalt  }
0x4d: {  	_ =	shalt  }
0x4e: {  	_ =	shalt  }
0x4f: {  	_ =	shalt  }
0x50: {  	_ =	shalt  }
0x51: {  	_ =	shalt  }
0x52: {  	_ =	shalt  }
0x53: {  	_ =	shalt  }
0x54: {  	_ =	shalt  }
0x55: {  	_ =	shalt  }
0x56: {  	_ =	shalt  }
0x57: {  	_ =	shalt  }
0x58: {  	_ =	shalt  }
0x59: {  	_ =	shalt  }
0x5a: {  	_ =	shalt  }
0x5b: {  	_ =	shalt  }
0x5c: {  	_ =	shalt  }
0x5d: {  	_ =	shalt  }
0x5e: {  	_ =	shalt  }
0x5f: {  	_ =	shalt  }
0x60: {  	_ =	shalt  }
0x61: {  	_ =	shalt  }
0x62: {  	_ =	shalt  }
0x63: {  	_ =	shalt  }
0x64: {  	_ =	shalt  }
0x65: {  	_ =	shalt  }
0x66: {  	_ =	shalt  }
0x67: {  	_ =	shalt  }
0x68: {  	_ =	shalt  }
0x69: {  	_ =	shalt  }
0x6a: {  	_ =	shalt  }
0x6b: {  	_ =	shalt  }
0x6c: {  	_ =	shalt  }
0x6d: {  	_ =	shalt  }
0x6e: {  	_ =	shalt  }
0x6f: {  	_ =	shalt  }
0x70: {  	_ =	shalt  }
0x71: {  	_ =	shalt  }
0x72: {  	_ =	shalt  }
0x73: {  	_ =	shalt  }
0x74: {  	_ =	shalt  }
0x75: {  	_ =	shalt  }
0x76: {  	_ =	shalt  }
0x77: {  	_ =	shalt  }
0x78: {  	_ =	shalt  }
0x79: {  	_ =	shalt  }
0x7a: {  	_ =	shalt  }
0x7b: {  	_ =	shalt  }
0x7c: {  	_ =	shalt  }
0x7d: {  	_ =	shalt  }
0x7e: {  	_ =	shalt  }
0x7f: {  	_ =	shalt  }
0x80: {  	_ =	shalt  }
0x81: {  	_ =	shalt  }
0x82: {  	_ =	shalt  }
0x83: {  	_ =	shalt  }
0x84: {  	_ =	shalt  }
0x85: {  	_ =	shalt  }
0x86: {  	_ =	shalt  }
0x87: {  	_ =	shalt  }
.Lfunc_end0:
.L_simem_size_0:
called_computation_lowered:
.L_overlay_start_0:
0x88: {  	s2 =	sld [smem:$0x3FD9]  }
0x89: {  	s3 =	sld [smem:$0x3FFE];
	_ =	sdelay $0x1  }
0x8a: {  	s1 =	srdreg.scid  }
0x8b: {  	s0 =	sand.u32 $0x1, s1  }
0x8c: {  	s16 =	sshll.u32 s0, $0xA;
	s2 =	sadd.s32 s3, s2  }
0x8d: {  	s2 =	sadd.s32 s2, s16  }
0x8e: {  	[smem:$0x3FC2] =	sst s2  }
0x8f: {  	_ = 	snop  }
0x90: {  	(tm) =	ssettm $0x1  }
0x91: {  	s17 =	sld [smem:$0x3FFB];
	_ =	sdelay $0x3  }
0x92: {  	_ =	strace s17  }
0x93: {  	s2 =	sld [smem:$0x3FFC];
	_ =	sdelay $0x3  }
0x94: {  	_ =	strace s2  }
0x95: {  	s2 =	sld [smem:$0x3FFD];
	_ =	sdelay $0x3  }
0x96: {  	_ =	strace s2  }
0x97: {  	_ =	strace $0x8FFFFFFF  }
0x98: {  	s18 =	sld [smem:$0x3FDB];
	_ =	sdelay $0x1  }
0x99: {  	s19 =	simm.s32 $_scs_section_size  }
0x9a: {  	s4 =	simm.s32 $_size__tile_overlayer_lowered;
	s5 =	simm.s32 $_tile_overlayer_lowered  }
0x9b: {  	s22 =	simm.s32 $0x1BFF;
	s21 =	sshll.u32 s5, $0x1;
	s2 =	sadd.s32 s19, s18  }
0x9c: {  	s6 =	simm.s32 $0x0;
	s20 =	sshll.u32 s4, $0x1;
	s4 =	sadd.s32 s21, s2  }
0x9d: {  	[timem:s6], [sflag:s22] =	dma.local [hbm:s4], s20  }
0x9e: {  	_ =	swait.ge [sflag:s22], s20  }
0x9f: {  	s3 =	ssub.s32 $0x0, s20;
	[sflag:s22] =	ssyncset.done $0x0  }
0xa0: {  	[sflag:s22] =	ssyncadd.s32 s3;
	_ =	sdelay $0x1  }
0xa1: {  	s23 =	simm.s32 $0x1B8B  }
0xa2: {  	_ =	swait.ge [sflag:s23], $0x1  }
0xa3: {  	[sflag:s23] =	ssyncset.done $0x0  }
0xa4: {  	s25 =	simm.s32 $0x1B8E;
	s24 =	sld [smem:$0x3FFE];
	[sflag:s23] =	ssyncadd.s32 $0xFFFFFFFF  }
0xa5: {  	s26 =	simm.s32 $execute0_lowered;
	[smem:$0x3FD2] =	sst s25  }
0xa6: {  	s4 =	sshll.u32 s26, $0x1;
	_ =	strace $0x80000046;
	[dreg:$0x1] =	wrdreg $0xFFFFFFFF  }
0xa7: {  	s28 =	simm.s32 $_size_execute0_lowered;
	s2 =	sadd.s32 s2, s4;
	[dreg:$0x0] =	wrdreg $0x0  }
0xa8: {  	s4 =	sshll.u32 s28, $0x1;
	[dreg:$0x2] =	wrdreg s2  }
0xa9: {  	[dreg:$0x3] =	wrdreg s4  }
0xaa: {  	[dreg:$0x4] =	wrdreg $0xC0  }
0xab: {  	_ =	task [dreg:s6], $0x5FFFF  }
0xac: {  	[dreg:$0x1] =	wrdreg $0xFFFFFFFF  }
0xad: {  	[dreg:$0x0] =	wrdreg $0x60  }
0xae: {  	[dreg:$0x2] =	wrdreg s24  }
0xaf: {  	[dreg:$0x3] =	wrdreg $0x40800  }
0xb0: {  	[dreg:$0x4] =	wrdreg $0x9  }
0xb1: {  	_ =	task.clear_ibuf [dreg:s6], $0x5FFFF;
	_ =	strace $0x90000046  }
0xb2: {  	s29 =	simm.s32 $0x9;
	_ =	strace $0x80000048  }
0xb3: {  	_ =	swait.ge [sflag:s29], $0x1  }
0xb4: {  	[sflag:s29] =	ssyncadd.s32 $0xFFFFFFFF  }
0xb5: {  	_ =	strace $0x90000048  }
0xb6: {  	_ =	sfence  }
0xb7: {  	s30 =	sld [smem:$0x0];
	_ =	sdelay $0x2  }
0xb8: {  	s31 =	sshll.u32 s1, $0xD;
	s1 =	sshrl.u32 s1, $0x2  }
0xb9: {  	s3 =	sand.u32 $0x4000, s31;
	s1 =	sadd.s32 s1, s30  }
0xba: {  	s0 =	sor.u32 s3, s0;
	s1 =	sshll.u32 s1, $0x11  }
0xbb: {  	s0 =	sor.u32 s1, s0  }
0xbc: {  	s0 =	sadd.s32 $0x8F2B, s0  }
0xbd: {  	[sflag:s0] =	ssyncadd.remote.s32 $0x1  }
0xbe: {  	_ =	sfence.sel $0xFFFF  }
0xbf: {  	[dreg:$0x0] =	wrdreg $0xFFFFFFFF;
	(pc) =	sbr.abs _section_cstart, $3  }
0xc0: {  	[dreg:$0x1] =	wrdreg $0xFFFFFFFF  }
0xc1: {  	_ =	task.clear_ibuf [dreg:s6], $0x2FFFF;
	_ =	strace $0x9FFFFFFF  }
0xc2: {  	(tm) =	ssettm $0x7FFFFFFF  }
0xc3: {  	_ =	shalt  }
tec
execute0_lowered:
.L_overlay_start_1:
0x0: {  	(tag) =	ssettag $0x1  }
0x1: {  	s4 =	rddreg [dreg:$0x0]  }
0x2: {  	s2 =	rddreg [dreg:$0x1]  }
0x3: {  	s0 =	rddreg [dreg:$0x2];
	s3 =	simm.s32 $0x0  }
0x4: {  	s1 =	stileid.u32;
	s5 =	srdreg.scid;
	s12 =	simm.s32 $0x4000  }
0x5: {  	s13 =	simm.s32 $0x0;
	[smem:$0x7FF] =	sst s3;
	s6 =	smul.u32 $0x280, s1  }
0x6: {  	s7 =	sand.u32 $0x1, s5;
	s30 =	sshll.u32 s1, $0x6;
	s31 =	sshll.u32 s1, $0xC  }
0x7: {  	_ =	strace $0x80000047;
	s5 =	sshll.u32 s7, $0xB;
	s9 =	ssub.s32 $0x2, s7  }
0x8: {  	p0 =	seq.s32 s7, $0x1;
	s8 =	sshrl.u32 s6, $0x3;
	s10 =	sadd.s32 s5, s4  }
0x9: {  	s29 =	sshrl.u32 s9, $0x1;
	s11 =	sadd.s32 s6, s2;
	s5 =	sor.u32 $0x1C01, s30  }
0xa: {  	s8 =	sadd.s32 s8, s4;
	s9 =	ssub.s32 s9, s29;
	s6 =	sadd.s32 s31, s10  }
0xb: {  	s10 =	simm.s32 $0x1C800;
	s4 =	sadd.s32 $0x1BC00, s8;
	s6 =	sadd.s32 $0xBC00, s6  }
0xc: {  	s7 =	smax.u32 s9, $0x1;
	s10 =	simm.s32 @!p0 $0x1C200;
	s9 =	sshrl.u32 s11, $0x3  }
0xd: {  	v0 =	vimm.f32 $1.000000000e+00;
	s11 =	simm.s32 $0x50;
	s8 =	sadd.s32 s10, s8;
	s10 =	simm.s32 $0x1  }
.LBB2_1:
0xe: {  	[spmem:s9], [sflag:s5] =	dma.local [hbm:s4], $0x50  }
0xf: {  	_ =	swait.ge [sflag:s10], $0x50  }
0x10: {  	[sflag:s10] =	ssyncset.done $0x0  }
0x11: {  	[sflag:s10] =	ssyncadd.s32 $0xFFFFFFB0  }
0x12: {  	[tilespmem:$0x4000] =	vst v0  }
0x13: {  	[tilespmem:$0x4010] =	vst v0  }
0x14: {  	[tilespmem:$0x4020] =	vst v0  }
0x15: {  	[tilespmem:$0x4030] =	vst v0  }
0x16: {  	[tilespmem:$0x4040] =	vst v0  }
0x17: {  	[tilespmem:s3], [sflag:$0x1] =	stream.linear.gather [hbm4b:s6+s3], $0x3E80, $0x38;
	[tilespmem:$0x4300] =	vst v63  }
0x18: {  	_ =	swait.ge [sflag:s10], $0x3E80  }
0x19: {  	[sflag:s10] =	ssyncset.done $0x0  }
0x1a: {  	[sflag:s10] =	ssyncadd.s32 $0xFFFFC180  }
0x1b: {  	s14 =	simm.s32 $0x0;
	[bflag:$0x0] =	sbarrier.arrive $0xFFFF  }
0x1c: {  	[spmem:s2] =	stream.indirect.scatter.add.f32 [tilespmem:s12], [sflag:$0x1], $0x1, s14, s11, $0xb8;
	[tilespmem:$0x4300] =	vst v63  }
0x1d: {  	_ =	swait.ge [sflag:s10], $0x50  }
0x1e: {  	s14 =	simm.s32 $0x200;
	[sflag:s10] =	ssyncset.done $0x0  }
.LBB2_2:
0x1f: {  	s15 =	sshra.s32 s14, $0x2;
	[sflag:s10] =	ssyncadd.s32 $0xFFFFFFB0;
	p0 =	sne.s32 s14, $0xF800  }
0x20: {  	[spmem:s2] =	stream.indirect.scatter.add.f32 [tilespmem:s12], [sflag:$0x1], $0x1, s15, s11, $0xb8;
	[tilespmem:$0x4300] =	vst v63  }
.Ltmp0:
0x21: {  	_ = 	snop;
	(pc) =	sbr.rel @p0 .LBB2_2-.Ltmp0, $4  }
0x22: {  	_ = 	snop  }
0x23: {  	s14 =	sadd.s32 $0x200, s14  }
0x24: {  	_ =	swait.ge [sflag:s10], $0x50  }
0x25: {  	[sflag:s10] =	ssyncset.done $0x0  }
0x26: {  	s13 =	sadd.s32 $0x1, s13  }
0x27: {  	[sflag:s10] =	ssyncadd.s32 $0xFFFFFFB0;
	p0 =	sne.s32 s13, s7  }
.Ltmp1:
0x28: {  	[bflag:$0x0] =	sbarrier.arrive $0xFFFF;
	(pc) =	sbr.rel @p0 .LBB2_1-.Ltmp1, $4  }
0x29: {  	[hbm:s8], [sflag:s5] =	dma.local [spmem:s9], $0x50  }
0x2a: {  	_ =	swait.ge [sflag:s10], $0x50  }
0x2b: {  	[sflag:s10] =	ssyncset.done $0x0  }
0x2c: {  	[sflag:s10] =	ssyncadd.s32 $0xFFFFFFB0  }
0x2d: {  	_ =	sfence.sel $0x180000  }
0x2e: {  	[bflag:$0x0] =	sbarrier.arrive $0xFFFF  }
0x2f: {  	p0 =	sne.s32 s1, $0x0;
	_ =	strace $0x90000047  }
0x30: {  	s0 =	sadd.s32 @!p0 $0x100000, s0;
	[bflag:$0x2] =	sbarrier.arrive $0xFFFF  }
0x31: {  	[sflag:s0] =	ssyncadd.tile.s32 @!p0 $0x1;
	_ =	shalt  }
.Lfunc_end2:
_tile_overlayer_lowered:
.L_overlay_start_2:
0x32: {  	(tag) =	ssettag $0x2  }
0x33: {  	s0 =	rddreg [dreg:$0x0];
	s2 =	stileid.u32  }
0x34: {  	s1 =	rddreg [dreg:$0x1];
	p0 =	sne.s32 s2, $0x0  }
0x35: {  	s3 =	rddreg [dreg:$0x2];
	[bflag:$0x3] =	sbarrier.arrive $0xFFFF;
	s2 =	simm.s32 @!p0 $0x1C01  }
0x36: {  	[timem:s3], [sflag:s2] =	dma.local @!p0 [hbm:s0], s1  }
0x37: {  	s0 =	simm.s32 @!p0 $0x1  }
0x38: {  	_ =	swait.ge @!p0 [sflag:s0], s1  }
0x39: {  	s1 =	ssub.s32 @!p0 $0x0, s1;
	[sflag:s0] =	ssyncset.done @!p0 $0x0  }
0x3a: {  	[sflag:s0] =	ssyncadd.s32 @!p0 s1  }
0x3b: {  	[bflag:$0x3] =	sbarrier.arrive $0xFFFF  }
0x3c: {  	_ =	shalt  }

</sc_bundles>
